<compile_context>
chip_gen: v7x
topology: tpu7x:2x2x1
jax: 0.10.2.dev20260603
libtpu: 0.0.44.dev20260713+nightly
codegen_flags: <defaults>
</compile_context>

<pallas_src>
import functools

import jax
import jax.numpy as jnp
from jax import lax
from jax.experimental import pallas as pl
from jax.experimental.pallas import tpu as pltpu
from jax.experimental.pallas import tpu_sc as plsc

NUM_MY = 82
B = 16384
WOFF_G, WOFF_A, WOFF_O, WOFF_MY, WOFF_RY, WOFF_X = 0, 2, 10, 32, 115, 126
WVEC = 896
NW = 32
BPW = B // NW
CH = 128
NCH = BPW // CH
H1 = 256
H2 = 128
R = 2048
F32 = jnp.float32

def _sc_gather_body(which, bpw, ni, *refs):
    nt = len(which)
    tables = refs[0:nt]
    idx_hbm = refs[nt:nt + ni]
    outs = refs[nt + ni:2 * nt + ni]
    idx_v = refs[2 * nt + ni:2 * nt + 2 * ni]
    dst_v = refs[2 * nt + 2 * ni:3 * nt + 2 * ni]
    sems = refs[3 * nt + 2 * ni:4 * nt + 2 * ni]

    wid = lax.axis_index("s") * 2 + lax.axis_index("c")
    base = wid * bpw

    for ih, iv in zip(idx_hbm, idx_v):
        pltpu.sync_copy(ih.at[pl.ds(base, bpw)], iv)

    copies = []
    for tbl, w, dst, sem in zip(tables, which, dst_v, sems):
        iv = idx_v[w]
        for j in range(bpw // CH):
            copies.append(
                pltpu.async_copy(
                    tbl.at[iv.at[pl.ds(j * CH, CH)]],
                    dst.at[pl.ds(j * CH, CH)],
                    sem,
                ))
    for c in copies:
        c.wait()

    for dst, out in zip(dst_v, outs):
        pltpu.sync_copy(dst, out.at[pl.ds(base, bpw)])


def _sc_gather(which, tables, idx, interpret=False):
    bs = idx[0].shape[0]
    bpw = bs // NW
    shapes = [t.shape[1:] for t in tables]
    out_type = [jax.ShapeDtypeStruct((bs,) + s, F32) for s in shapes]
    scratch = ([pltpu.VMEM((bpw,), jnp.int32)] * len(idx)
               + [pltpu.VMEM((bpw,) + s, F32) for s in shapes]
               + [pltpu.SemaphoreType.DMA] * len(tables))
    mesh = plsc.VectorSubcoreMesh(core_axis_name="c", subcore_axis_name="s",
                                  num_cores=2)
    fn = pl.kernel(
        functools.partial(_sc_gather_body, which, bpw, len(idx)),
        out_type=out_type,
        mesh=mesh,
        scratch_types=scratch,
        compiler_params=pltpu.CompilerParams(use_tc_tiling_on_sc=False),
        interpret=interpret,
    )
    return fn(*tables, *idx)


def _onehot(ids, base, n):
    cols = lax.broadcasted_iota(jnp.int32, (R, n), 1)
    return jnp.where(cols == ids + base, 1.0, 0.0).astype(F32)


def _tc_mlp_body(x_ref, ue, me, wu, wm,
                 w1u, w1m, msm, wgs, b1r, w2r, b2r, w3r, wvec,
                 scal, out_ref):
    xb = x_ref[...]
    xi = xb.astype(jnp.int32)
    gid, aid, oid = xi[:, 2:3], xi[:, 3:4], xi[:, 4:5]
    myid, ryid = xi[:, 5:6], xi[:, 6:7]
    g = xb[:, 2:3]
    s0 = xb[:, 7:8]
    s1 = xb[:, 8:9]
    dot = functools.partial(jnp.dot, preferred_element_type=F32)

    oh = (_onehot(aid, 0, 128) + _onehot(oid, 8, 128)
          + _onehot(myid, 30, 128) + _onehot(ryid, 113, 128))

    h = dot(ue[...], w1u[...]) + dot(me[...], w1m[...]) + dot(oh, msm[...])
    h = h + g * wgs[0:1, :] + s0 * wgs[1:2, :] + s1 * wgs[2:3, :] + b1r[...]
    h = jnp.maximum(h, 0.0)
    h2 = jnp.maximum(dot(h, w2r[...]) + b2r[...], 0.0)
    deep = dot(h2, w3r[...]) + scal[0, 3]

    ohw = (_onehot(gid, WOFF_G, WVEC) + _onehot(aid, WOFF_A, WVEC)
           + _onehot(oid, WOFF_O, WVEC) + _onehot(myid, WOFF_MY, WVEC)
           + _onehot(ryid, WOFF_RY, WVEC)
           + _onehot(aid * (NUM_MY + 1) + myid, WOFF_X, WVEC))
    wide = (wu[...] + wm[...] + dot(ohw, wvec[...])
            + s0 * scal[0, 0] + s1 * scal[0, 1] + scal[0, 2])
    out_ref[...] = jax.nn.sigmoid(0.5 * wide + 0.5 * deep)


def _tc_mlp(x, feats, weights, scal, interpret=False):
    bs = x.shape[0]
    nblk = bs // R

    def brow(d):
        return pl.BlockSpec((R, d), lambda i: (i, 0))

    def wfull(a):
        return pl.BlockSpec(a.shape, lambda i: (0, 0))

    in_specs = ([brow(9)]
                + [brow(f.shape[1]) for f in feats]
                + [wfull(w) for w in weights]
                + [pl.BlockSpec(scal.shape, lambda i: (0, 0),
                                memory_space=pltpu.SMEM)])
    fn = pl.pallas_call(
        _tc_mlp_body,
        grid=(nblk,),
        in_specs=in_specs,
        out_specs=pl.BlockSpec((R, 1), lambda i: (i, 0)),
        out_shape=jax.ShapeDtypeStruct((bs, 1), F32),
        compiler_params=pltpu.CompilerParams(
            dimension_semantics=("parallel",)),
        interpret=interpret,
    )
    return fn(x, *feats, *weights, scal)


def kernel(x, user_emb, movie_emb, age_emb, occupation_emb, movie_year_emb,
           rate_year_emb, wide_user, wide_movie, wide_gender, wide_age,
           wide_occupation, wide_movie_year, wide_rate_year, wide_stat_W,
           wide_stat_b, wide_cross, W1, b1, W2, b2, W3, b3,
           interpret=False):
    xi = x.astype(jnp.int32)
    uid, mid = xi[:, 0], xi[:, 1]

    w1t = W1.T
    tsm = jnp.zeros((128, 36), F32)
    tsm = tsm.at[0:8, 0:8].set(age_emb)
    tsm = tsm.at[8:30, 8:24].set(occupation_emb)
    tsm = tsm.at[30:113, 24:32].set(movie_year_emb)
    tsm = tsm.at[113:124, 32:36].set(rate_year_emb)
    msm = tsm @ w1t[128:164]

    wvec = jnp.concatenate([
        wide_gender, wide_age, wide_occupation, wide_movie_year,
        wide_rate_year, wide_cross,
        jnp.zeros((WVEC - WOFF_X - 664, 1), F32)])

    weights = (w1t[0:64], w1t[64:128], msm, w1t[164:167],
               b1.reshape(1, H1), W2.T, b2.reshape(1, H2), W3.T, wvec)
    scal = jnp.stack([wide_stat_W[0, 0], wide_stat_W[0, 1],
                      wide_stat_b[0], b3[0]]).reshape(1, 4)

    ue, me, wu, wm = _sc_gather(
        [0, 1, 0, 1],
        (user_emb, movie_emb, wide_user[:, 0], wide_movie[:, 0]),
        (uid, mid), interpret=interpret)
    feats = (ue, me, wu.reshape(B, 1), wm.reshape(B, 1))
    out = _tc_mlp(x, feats, weights, scal, interpret=interpret)
    return out[:, 0]

# --- scband reference (transcript-rebuilt; emitter-appended) ---
"""Pipeline reference for scband-wide-and-deep-model-83425444757617 (READ-ONLY COPY).

The authoritative reference and input builder live on the scoring server;
editing this copy changes nothing except your own understanding.
"""

import jax, jax.numpy as jnp
import numpy as np

NUM_USERS = 1000000
NUM_MOVIES = 100000
NUM_AGES = 7
NUM_OCC = 21
NUM_MY = 82
NUM_RY = 10
B = 16384
U_DIM = 64
M_DIM = 64
A_DIM = 8
O_DIM = 16
MY_DIM = 8
RY_DIM = 4
DEEP_IN = U_DIM + M_DIM + A_DIM + O_DIM + MY_DIM + RY_DIM + 1 + 2
H1 = 256
H2 = 128


def setup_inputs(seed: int = 0) -> dict:
    key = jax.random.key(seed)
    ks = jax.random.split(key, 32)
    uid = jax.random.randint(ks[0], (B,), 0, NUM_USERS + 1)
    mid = jax.random.randint(ks[1], (B,), 0, NUM_MOVIES + 1)
    gid = jax.random.randint(ks[2], (B,), 0, 2)
    aid = jax.random.randint(ks[3], (B,), 0, NUM_AGES + 1)
    oid = jax.random.randint(ks[4], (B,), 0, NUM_OCC + 1)
    myid = jax.random.randint(ks[5], (B,), 0, NUM_MY + 1)
    ryid = jax.random.randint(ks[6], (B,), 0, NUM_RY + 1)
    stat = jax.random.uniform(ks[7], (B, 2), dtype=jnp.float32)
    x = jnp.concatenate([
        uid[:, None].astype(jnp.float32),
        mid[:, None].astype(jnp.float32),
        gid[:, None].astype(jnp.float32),
        aid[:, None].astype(jnp.float32),
        oid[:, None].astype(jnp.float32),
        myid[:, None].astype(jnp.float32),
        ryid[:, None].astype(jnp.float32),
        stat,
    ], axis=1)
    s = 0.05
    params = {
        'user_emb': jax.random.normal(ks[8], (NUM_USERS + 1, U_DIM), dtype=jnp.float32) * s,
        'movie_emb': jax.random.normal(ks[9], (NUM_MOVIES + 1, M_DIM), dtype=jnp.float32) * s,
        'age_emb': jax.random.normal(ks[10], (NUM_AGES + 1, A_DIM), dtype=jnp.float32) * s,
        'occupation_emb': jax.random.normal(ks[11], (NUM_OCC + 1, O_DIM), dtype=jnp.float32) * s,
        'movie_year_emb': jax.random.normal(ks[12], (NUM_MY + 1, MY_DIM), dtype=jnp.float32) * s,
        'rate_year_emb': jax.random.normal(ks[13], (NUM_RY + 1, RY_DIM), dtype=jnp.float32) * s,
        'wide_user': jax.random.normal(ks[14], (NUM_USERS + 1, 1), dtype=jnp.float32) * s,
        'wide_movie': jax.random.normal(ks[15], (NUM_MOVIES + 1, 1), dtype=jnp.float32) * s,
        'wide_gender': jax.random.normal(ks[16], (2, 1), dtype=jnp.float32) * s,
        'wide_age': jax.random.normal(ks[17], (NUM_AGES + 1, 1), dtype=jnp.float32) * s,
        'wide_occupation': jax.random.normal(ks[18], (NUM_OCC + 1, 1), dtype=jnp.float32) * s,
        'wide_movie_year': jax.random.normal(ks[19], (NUM_MY + 1, 1), dtype=jnp.float32) * s,
        'wide_rate_year': jax.random.normal(ks[20], (NUM_RY + 1, 1), dtype=jnp.float32) * s,
        'wide_stat_W': jax.random.normal(ks[21], (1, 2), dtype=jnp.float32) * s,
        'wide_stat_b': jnp.zeros((1,), dtype=jnp.float32),
        'wide_cross': jax.random.normal(ks[22], ((NUM_AGES + 1) * (NUM_MY + 1), 1), dtype=jnp.float32) * s,
        'W1': jax.random.normal(ks[23], (H1, DEEP_IN), dtype=jnp.float32) * s,
        'b1': jnp.zeros((H1,), dtype=jnp.float32),
        'W2': jax.random.normal(ks[24], (H2, H1), dtype=jnp.float32) * s,
        'b2': jnp.zeros((H2,), dtype=jnp.float32),
        'W3': jax.random.normal(ks[25], (1, H2), dtype=jnp.float32) * s,
        'b3': jnp.zeros((1,), dtype=jnp.float32),
    }
    inp = {'x': x}
    inp.update(params)
    return inp


def reference(x, user_emb, movie_emb, age_emb, occupation_emb, movie_year_emb, rate_year_emb,
              wide_user, wide_movie, wide_gender, wide_age, wide_occupation, wide_movie_year,
              wide_rate_year, wide_stat_W, wide_stat_b, wide_cross, W1, b1, W2, b2, W3, b3):
    uid = x[:, 0].astype(jnp.int32)
    mid = x[:, 1].astype(jnp.int32)
    gid = x[:, 2].astype(jnp.int32)
    gender = x[:, 2:3]
    aid = x[:, 3].astype(jnp.int32)
    oid = x[:, 4].astype(jnp.int32)
    myid = x[:, 5].astype(jnp.int32)
    ryid = x[:, 6].astype(jnp.int32)
    stat = x[:, 7:9]
    ue = jnp.take(user_emb, uid, axis=0)
    me = jnp.take(movie_emb, mid, axis=0)
    ae = jnp.take(age_emb, aid, axis=0)
    oe = jnp.take(occupation_emb, oid, axis=0)
    mye = jnp.take(movie_year_emb, myid, axis=0)
    rye = jnp.take(rate_year_emb, ryid, axis=0)
    cross_ids = aid * (NUM_MY + 1) + myid
    wide = (jnp.take(wide_user, uid, axis=0)[:, 0]
            + jnp.take(wide_movie, mid, axis=0)[:, 0]
            + jnp.take(wide_gender, gid, axis=0)[:, 0]
            + jnp.take(wide_age, aid, axis=0)[:, 0]
            + jnp.take(wide_occupation, oid, axis=0)[:, 0]
            + jnp.take(wide_movie_year, myid, axis=0)[:, 0]
            + jnp.take(wide_rate_year, ryid, axis=0)[:, 0]
            + (stat @ wide_stat_W.T + wide_stat_b)[:, 0]
            + jnp.take(wide_cross, cross_ids, axis=0)[:, 0])[:, None]
    deep_in = jnp.concatenate([ue, me, ae, oe, mye, rye, gender, stat], axis=1)
    h = jax.nn.relu(deep_in @ W1.T + b1)
    h = jax.nn.relu(h @ W2.T + b2)
    deep_out = h @ W3.T + b3
    out = wide * 0.5 + deep_out * 0.5
    return jax.nn.sigmoid(jnp.squeeze(out))

if __name__ == "__main__":
    import jax
    _d = setup_inputs()
    print(jax.jit(kernel)(*tuple(_d.values())))

</pallas_src>

<mosaic_0001>
#map = affine_map<(d0, d1) -> (0, 0)>
#map1 = affine_map<(d0, d1) -> (0)>
module attributes {stable_mosaic.version = 14 : i64} {
  func.func @_sc_gather_body(%arg0: i32, %arg1: i32, %arg2: memref<1000001x64xf32, #tpu.memory_space<hbm>>, %arg3: memref<100001x64xf32, #tpu.memory_space<hbm>>, %arg4: memref<1000001xf32, #tpu.memory_space<hbm>>, %arg5: memref<100001xf32, #tpu.memory_space<hbm>>, %arg6: memref<16384xi32, #tpu.memory_space<hbm>>, %arg7: memref<16384xi32, #tpu.memory_space<hbm>>, %arg8: memref<16384x64xf32, #tpu.memory_space<hbm>>, %arg9: memref<16384x64xf32, #tpu.memory_space<hbm>>, %arg10: memref<16384xf32, #tpu.memory_space<hbm>>, %arg11: memref<16384xf32, #tpu.memory_space<hbm>>, %arg12: memref<512xi32, #tpu.memory_space<vmem>>, %arg13: memref<512xi32, #tpu.memory_space<vmem>>, %arg14: memref<512x64xf32, #tpu.memory_space<vmem>>, %arg15: memref<512x64xf32, #tpu.memory_space<vmem>>, %arg16: memref<512xf32, #tpu.memory_space<vmem>>, %arg17: memref<512xf32, #tpu.memory_space<vmem>>, %arg18: memref<!tpu.dma_semaphore, #tpu.memory_space<semaphore_mem>>, %arg19: memref<!tpu.dma_semaphore, #tpu.memory_space<semaphore_mem>>, %arg20: memref<!tpu.dma_semaphore, #tpu.memory_space<semaphore_mem>>, %arg21: memref<!tpu.dma_semaphore, #tpu.memory_space<semaphore_mem>>) attributes {dimension_semantics = [#tpu.dimension_semantics<core_parallel>, #tpu.dimension_semantics<subcore_parallel>], iteration_bounds = array<i64: 2, 16>, scalar_prefetch = 0 : i64, scratch_operands = 10 : i64, tpu.core_type = #tpu.core_type<sc_vector_subcore>, window_params = [{transform_indices = #map}, {transform_indices = #map}, {transform_indices = #map1}, {transform_indices = #map1}, {transform_indices = #map1}, {transform_indices = #map1}, {transform_indices = #map}, {transform_indices = #map}, {transform_indices = #map1}, {transform_indices = #map1}]} {
    %mul3A = arith.constant 2 : i32
    %mul3A_0 = arith.muli %arg1, %mul3A : i32
    %add3A = arith.addi %mul3A_0, %arg0 : i32
    %mul3A_1 = arith.constant 512 : i32
    %mul3A_2 = arith.muli %add3A, %mul3A_1 : i32
    "tpu.region"() ({
      %run_scoped3A = tpu.sem_alloc : memref<!tpu.dma_semaphore, #tpu.memory_space<semaphore_mem>>
      %dma_start3A_225 = tpu.memref_slice %arg6[%mul3A_2] : memref<16384xi32, #tpu.memory_space<hbm>> -> memref<512xi32, #tpu.memory_space<hbm>>
      %dma_start3A_226 = tpu.memref_slice %arg6[%mul3A_2] : memref<16384xi32, #tpu.memory_space<hbm>> -> memref<512xi32, #tpu.memory_space<hbm>>
      tpu.enqueue_dma source(%dma_start3A_226 : memref<512xi32, #tpu.memory_space<hbm>>) target(%arg12 : memref<512xi32, #tpu.memory_space<vmem>>) target_semaphore(%run_scoped3A : memref<!tpu.dma_semaphore, #tpu.memory_space<semaphore_mem>>)
      %dma_wait3A_227 = tpu.memref_slice %arg6[%mul3A_2] : memref<16384xi32, #tpu.memory_space<hbm>> -> memref<512xi32, #tpu.memory_space<hbm>>
      %dma_wait3A_228 = tpu.memref_slice %arg6[%mul3A_2] : memref<16384xi32, #tpu.memory_space<hbm>> -> memref<512xi32, #tpu.memory_space<hbm>>
      tpu.wait_dma2 semaphore(%run_scoped3A : memref<!tpu.dma_semaphore, #tpu.memory_space<semaphore_mem>>) src(%dma_wait3A_228 : memref<512xi32, #tpu.memory_space<hbm>>) dst(%arg12 : memref<512xi32, #tpu.memory_space<vmem>>)
      tpu.yield
    }) : () -> ()
    "tpu.region"() ({
      %run_scoped3A = tpu.sem_alloc : memref<!tpu.dma_semaphore, #tpu.memory_space<semaphore_mem>>
      %dma_start3A_225 = tpu.memref_slice %arg7[%mul3A_2] : memref<16384xi32, #tpu.memory_space<hbm>> -> memref<512xi32, #tpu.memory_space<hbm>>
      %dma_start3A_226 = tpu.memref_slice %arg7[%mul3A_2] : memref<16384xi32, #tpu.memory_space<hbm>> -> memref<512xi32, #tpu.memory_space<hbm>>
      tpu.enqueue_dma source(%dma_start3A_226 : memref<512xi32, #tpu.memory_space<hbm>>) target(%arg13 : memref<512xi32, #tpu.memory_space<vmem>>) target_semaphore(%run_scoped3A : memref<!tpu.dma_semaphore, #tpu.memory_space<semaphore_mem>>)
      %dma_wait3A_227 = tpu.memref_slice %arg7[%mul3A_2] : memref<16384xi32, #tpu.memory_space<hbm>> -> memref<512xi32, #tpu.memory_space<hbm>>
      %dma_wait3A_228 = tpu.memref_slice %arg7[%mul3A_2] : memref<16384xi32, #tpu.memory_space<hbm>> -> memref<512xi32, #tpu.memory_space<hbm>>
      tpu.wait_dma2 semaphore(%run_scoped3A : memref<!tpu.dma_semaphore, #tpu.memory_space<semaphore_mem>>) src(%dma_wait3A_228 : memref<512xi32, #tpu.memory_space<hbm>>) dst(%arg13 : memref<512xi32, #tpu.memory_space<vmem>>)
      tpu.yield
    }) : () -> ()
    %dma_start3A = arith.constant 0 : i32
    %dma_start3A_3 = arith.constant 0 : i32
    %dma_start3A_4 = tpu.memref_slice %arg14[%dma_start3A, %dma_start3A_3] : memref<512x64xf32, #tpu.memory_space<vmem>> -> memref<128x64xf32, #tpu.memory_space<vmem>>
    %dma_start3A_5 = arith.constant 0 : i32
    %dma_start3A_6 = tpu.memref_slice %arg12[%dma_start3A_5] : memref<512xi32, #tpu.memory_space<vmem>> -> memref<128xi32, #tpu.memory_space<vmem>>
    %dma_start3A_7 = arith.constant 0 : i32
    %dma_start3A_8 = arith.constant 0 : i32
    %dma_start3A_9 = tpu.memref_slice %arg2[%dma_start3A_7, %dma_start3A_8] : memref<1000001x64xf32, #tpu.memory_space<hbm>> -> memref<1000001x64xf32, #tpu.memory_space<hbm>>
    tpu.enqueue_indirect_dma source(%dma_start3A_9 : memref<1000001x64xf32, #tpu.memory_space<hbm>>) target(%dma_start3A_4 : memref<128x64xf32, #tpu.memory_space<vmem>>) offsets(%dma_start3A_6 : memref<128xi32, #tpu.memory_space<vmem>>) semaphore(%arg18 : memref<!tpu.dma_semaphore, #tpu.memory_space<semaphore_mem>>)
    %dma_start3A_10 = arith.constant 128 : i32
    %dma_start3A_11 = arith.constant 0 : i32
    %dma_start3A_12 = tpu.memref_slice %arg14[%dma_start3A_10, %dma_start3A_11] : memref<512x64xf32, #tpu.memory_space<vmem>> -> memref<128x64xf32, #tpu.memory_space<vmem>>
    %dma_start3A_13 = arith.constant 128 : i32
    %dma_start3A_14 = tpu.memref_slice %arg12[%dma_start3A_13] : memref<512xi32, #tpu.memory_space<vmem>> -> memref<128xi32, #tpu.memory_space<vmem>>
    %dma_start3A_15 = arith.constant 0 : i32
    %dma_start3A_16 = arith.constant 0 : i32
    %dma_start3A_17 = tpu.memref_slice %arg2[%dma_start3A_15, %dma_start3A_16] : memref<1000001x64xf32, #tpu.memory_space<hbm>> -> memref<1000001x64xf32, #tpu.memory_space<hbm>>
    tpu.enqueue_indirect_dma source(%dma_start3A_17 : memref<1000001x64xf32, #tpu.memory_space<hbm>>) target(%dma_start3A_12 : memref<128x64xf32, #tpu.memory_space<vmem>>) offsets(%dma_start3A_14 : memref<128xi32, #tpu.memory_space<vmem>>) semaphore(%arg18 : memref<!tpu.dma_semaphore, #tpu.memory_space<semaphore_mem>>)
    %dma_start3A_18 = arith.constant 256 : i32
    %dma_start3A_19 = arith.constant 0 : i32
    %dma_start3A_20 = tpu.memref_slice %arg14[%dma_start3A_18, %dma_start3A_19] : memref<512x64xf32, #tpu.memory_space<vmem>> -> memref<128x64xf32, #tpu.memory_space<vmem>>
    %dma_start3A_21 = arith.constant 256 : i32
    %dma_start3A_22 = tpu.memref_slice %arg12[%dma_start3A_21] : memref<512xi32, #tpu.memory_space<vmem>> -> memref<128xi32, #tpu.memory_space<vmem>>
    %dma_start3A_23 = arith.constant 0 : i32
    %dma_start3A_24 = arith.constant 0 : i32
    %dma_start3A_25 = tpu.memref_slice %arg2[%dma_start3A_23, %dma_start3A_24] : memref<1000001x64xf32, #tpu.memory_space<hbm>> -> memref<1000001x64xf32, #tpu.memory_space<hbm>>
    tpu.enqueue_indirect_dma source(%dma_start3A_25 : memref<1000001x64xf32, #tpu.memory_space<hbm>>) target(%dma_start3A_20 : memref<128x64xf32, #tpu.memory_space<vmem>>) offsets(%dma_start3A_22 : memref<128xi32, #tpu.memory_space<vmem>>) semaphore(%arg18 : memref<!tpu.dma_semaphore, #tpu.memory_space<semaphore_mem>>)
    %dma_start3A_26 = arith.constant 384 : i32
    %dma_start3A_27 = arith.constant 0 : i32
    %dma_start3A_28 = tpu.memref_slice %arg14[%dma_start3A_26, %dma_start3A_27] : memref<512x64xf32, #tpu.memory_space<vmem>> -> memref<128x64xf32, #tpu.memory_space<vmem>>
    %dma_start3A_29 = arith.constant 384 : i32
    %dma_start3A_30 = tpu.memref_slice %arg12[%dma_start3A_29] : memref<512xi32, #tpu.memory_space<vmem>> -> memref<128xi32, #tpu.memory_space<vmem>>
    %dma_start3A_31 = arith.constant 0 : i32
    %dma_start3A_32 = arith.constant 0 : i32
    %dma_start3A_33 = tpu.memref_slice %arg2[%dma_start3A_31, %dma_start3A_32] : memref<1000001x64xf32, #tpu.memory_space<hbm>> -> memref<1000001x64xf32, #tpu.memory_space<hbm>>
    tpu.enqueue_indirect_dma source(%dma_start3A_33 : memref<1000001x64xf32, #tpu.memory_space<hbm>>) target(%dma_start3A_28 : memref<128x64xf32, #tpu.memory_space<vmem>>) offsets(%dma_start3A_30 : memref<128xi32, #tpu.memory_space<vmem>>) semaphore(%arg18 : memref<!tpu.dma_semaphore, #tpu.memory_space<semaphore_mem>>)
    %dma_start3A_34 = arith.constant 0 : i32
    %dma_start3A_35 = arith.constant 0 : i32
    %dma_start3A_36 = tpu.memref_slice %arg15[%dma_start3A_34, %dma_start3A_35] : memref<512x64xf32, #tpu.memory_space<vmem>> -> memref<128x64xf32, #tpu.memory_space<vmem>>
    %dma_start3A_37 = arith.constant 0 : i32
    %dma_start3A_38 = tpu.memref_slice %arg13[%dma_start3A_37] : memref<512xi32, #tpu.memory_space<vmem>> -> memref<128xi32, #tpu.memory_space<vmem>>
    %dma_start3A_39 = arith.constant 0 : i32
    %dma_start3A_40 = arith.constant 0 : i32
    %dma_start3A_41 = tpu.memref_slice %arg3[%dma_start3A_39, %dma_start3A_40] : memref<100001x64xf32, #tpu.memory_space<hbm>> -> memref<100001x64xf32, #tpu.memory_space<hbm>>
    tpu.enqueue_indirect_dma source(%dma_start3A_41 : memref<100001x64xf32, #tpu.memory_space<hbm>>) target(%dma_start3A_36 : memref<128x64xf32, #tpu.memory_space<vmem>>) offsets(%dma_start3A_38 : memref<128xi32, #tpu.memory_space<vmem>>) semaphore(%arg19 : memref<!tpu.dma_semaphore, #tpu.memory_space<semaphore_mem>>)
    %dma_start3A_42 = arith.constant 128 : i32
    %dma_start3A_43 = arith.constant 0 : i32
    %dma_start3A_44 = tpu.memref_slice %arg15[%dma_start3A_42, %dma_start3A_43] : memref<512x64xf32, #tpu.memory_space<vmem>> -> memref<128x64xf32, #tpu.memory_space<vmem>>
    %dma_start3A_45 = arith.constant 128 : i32
    %dma_start3A_46 = tpu.memref_slice %arg13[%dma_start3A_45] : memref<512xi32, #tpu.memory_space<vmem>> -> memref<128xi32, #tpu.memory_space<vmem>>
    %dma_start3A_47 = arith.constant 0 : i32
    %dma_start3A_48 = arith.constant 0 : i32
    %dma_start3A_49 = tpu.memref_slice %arg3[%dma_start3A_47, %dma_start3A_48] : memref<100001x64xf32, #tpu.memory_space<hbm>> -> memref<100001x64xf32, #tpu.memory_space<hbm>>
    tpu.enqueue_indirect_dma source(%dma_start3A_49 : memref<100001x64xf32, #tpu.memory_space<hbm>>) target(%dma_start3A_44 : memref<128x64xf32, #tpu.memory_space<vmem>>) offsets(%dma_start3A_46 : memref<128xi32, #tpu.memory_space<vmem>>) semaphore(%arg19 : memref<!tpu.dma_semaphore, #tpu.memory_space<semaphore_mem>>)
    %dma_start3A_50 = arith.constant 256 : i32
    %dma_start3A_51 = arith.constant 0 : i32
    %dma_start3A_52 = tpu.memref_slice %arg15[%dma_start3A_50, %dma_start3A_51] : memref<512x64xf32, #tpu.memory_space<vmem>> -> memref<128x64xf32, #tpu.memory_space<vmem>>
    %dma_start3A_53 = arith.constant 256 : i32
    %dma_start3A_54 = tpu.memref_slice %arg13[%dma_start3A_53] : memref<512xi32, #tpu.memory_space<vmem>> -> memref<128xi32, #tpu.memory_space<vmem>>
    %dma_start3A_55 = arith.constant 0 : i32
    %dma_start3A_56 = arith.constant 0 : i32
    %dma_start3A_57 = tpu.memref_slice %arg3[%dma_start3A_55, %dma_start3A_56] : memref<100001x64xf32, #tpu.memory_space<hbm>> -> memref<100001x64xf32, #tpu.memory_space<hbm>>
    tpu.enqueue_indirect_dma source(%dma_start3A_57 : memref<100001x64xf32, #tpu.memory_space<hbm>>) target(%dma_start3A_52 : memref<128x64xf32, #tpu.memory_space<vmem>>) offsets(%dma_start3A_54 : memref<128xi32, #tpu.memory_space<vmem>>) semaphore(%arg19 : memref<!tpu.dma_semaphore, #tpu.memory_space<semaphore_mem>>)
    %dma_start3A_58 = arith.constant 384 : i32
    %dma_start3A_59 = arith.constant 0 : i32
    %dma_start3A_60 = tpu.memref_slice %arg15[%dma_start3A_58, %dma_start3A_59] : memref<512x64xf32, #tpu.memory_space<vmem>> -> memref<128x64xf32, #tpu.memory_space<vmem>>
    %dma_start3A_61 = arith.constant 384 : i32
    %dma_start3A_62 = tpu.memref_slice %arg13[%dma_start3A_61] : memref<512xi32, #tpu.memory_space<vmem>> -> memref<128xi32, #tpu.memory_space<vmem>>
    %dma_start3A_63 = arith.constant 0 : i32
    %dma_start3A_64 = arith.constant 0 : i32
    %dma_start3A_65 = tpu.memref_slice %arg3[%dma_start3A_63, %dma_start3A_64] : memref<100001x64xf32, #tpu.memory_space<hbm>> -> memref<100001x64xf32, #tpu.memory_space<hbm>>
    tpu.enqueue_indirect_dma source(%dma_start3A_65 : memref<100001x64xf32, #tpu.memory_space<hbm>>) target(%dma_start3A_60 : memref<128x64xf32, #tpu.memory_space<vmem>>) offsets(%dma_start3A_62 : memref<128xi32, #tpu.memory_space<vmem>>) semaphore(%arg19 : memref<!tpu.dma_semaphore, #tpu.memory_space<semaphore_mem>>)
    %dma_start3A_66 = arith.constant 0 : i32
    %dma_start3A_67 = tpu.memref_slice %arg16[%dma_start3A_66] : memref<512xf32, #tpu.memory_space<vmem>> -> memref<128xf32, #tpu.memory_space<vmem>>
    %dma_start3A_68 = arith.constant 0 : i32
    %dma_start3A_69 = tpu.memref_slice %arg12[%dma_start3A_68] : memref<512xi32, #tpu.memory_space<vmem>> -> memref<128xi32, #tpu.memory_space<vmem>>
    %dma_start3A_70 = arith.constant 0 : i32
    %dma_start3A_71 = tpu.memref_slice %arg4[%dma_start3A_70] : memref<1000001xf32, #tpu.memory_space<hbm>> -> memref<1000001xf32, #tpu.memory_space<hbm>>
    tpu.enqueue_indirect_dma source(%dma_start3A_71 : memref<1000001xf32, #tpu.memory_space<hbm>>) target(%dma_start3A_67 : memref<128xf32, #tpu.memory_space<vmem>>) offsets(%dma_start3A_69 : memref<128xi32, #tpu.memory_space<vmem>>) semaphore(%arg20 : memref<!tpu.dma_semaphore, #tpu.memory_space<semaphore_mem>>)
    %dma_start3A_72 = arith.constant 128 : i32
    %dma_start3A_73 = tpu.memref_slice %arg16[%dma_start3A_72] : memref<512xf32, #tpu.memory_space<vmem>> -> memref<128xf32, #tpu.memory_space<vmem>>
    %dma_start3A_74 = arith.constant 128 : i32
    %dma_start3A_75 = tpu.memref_slice %arg12[%dma_start3A_74] : memref<512xi32, #tpu.memory_space<vmem>> -> memref<128xi32, #tpu.memory_space<vmem>>
    %dma_start3A_76 = arith.constant 0 : i32
    %dma_start3A_77 = tpu.memref_slice %arg4[%dma_start3A_76] : memref<1000001xf32, #tpu.memory_space<hbm>> -> memref<1000001xf32, #tpu.memory_space<hbm>>
    tpu.enqueue_indirect_dma source(%dma_start3A_77 : memref<1000001xf32, #tpu.memory_space<hbm>>) target(%dma_start3A_73 : memref<128xf32, #tpu.memory_space<vmem>>) offsets(%dma_start3A_75 : memref<128xi32, #tpu.memory_space<vmem>>) semaphore(%arg20 : memref<!tpu.dma_semaphore, #tpu.memory_space<semaphore_mem>>)
    %dma_start3A_78 = arith.constant 256 : i32
    %dma_start3A_79 = tpu.memref_slice %arg16[%dma_start3A_78] : memref<512xf32, #tpu.memory_space<vmem>> -> memref<128xf32, #tpu.memory_space<vmem>>
    %dma_start3A_80 = arith.constant 256 : i32
    %dma_start3A_81 = tpu.memref_slice %arg12[%dma_start3A_80] : memref<512xi32, #tpu.memory_space<vmem>> -> memref<128xi32, #tpu.memory_space<vmem>>
    %dma_start3A_82 = arith.constant 0 : i32
    %dma_start3A_83 = tpu.memref_slice %arg4[%dma_start3A_82] : memref<1000001xf32, #tpu.memory_space<hbm>> -> memref<1000001xf32, #tpu.memory_space<hbm>>
    tpu.enqueue_indirect_dma source(%dma_start3A_83 : memref<1000001xf32, #tpu.memory_space<hbm>>) target(%dma_start3A_79 : memref<128xf32, #tpu.memory_space<vmem>>) offsets(%dma_start3A_81 : memref<128xi32, #tpu.memory_space<vmem>>) semaphore(%arg20 : memref<!tpu.dma_semaphore, #tpu.memory_space<semaphore_mem>>)
    %dma_start3A_84 = arith.constant 384 : i32
    %dma_start3A_85 = tpu.memref_slice %arg16[%dma_start3A_84] : memref<512xf32, #tpu.memory_space<vmem>> -> memref<128xf32, #tpu.memory_space<vmem>>
    %dma_start3A_86 = arith.constant 384 : i32
    %dma_start3A_87 = tpu.memref_slice %arg12[%dma_start3A_86] : memref<512xi32, #tpu.memory_space<vmem>> -> memref<128xi32, #tpu.memory_space<vmem>>
    %dma_start3A_88 = arith.constant 0 : i32
    %dma_start3A_89 = tpu.memref_slice %arg4[%dma_start3A_88] : memref<1000001xf32, #tpu.memory_space<hbm>> -> memref<1000001xf32, #tpu.memory_space<hbm>>
    tpu.enqueue_indirect_dma source(%dma_start3A_89 : memref<1000001xf32, #tpu.memory_space<hbm>>) target(%dma_start3A_85 : memref<128xf32, #tpu.memory_space<vmem>>) offsets(%dma_start3A_87 : memref<128xi32, #tpu.memory_space<vmem>>) semaphore(%arg20 : memref<!tpu.dma_semaphore, #tpu.memory_space<semaphore_mem>>)
    %dma_start3A_90 = arith.constant 0 : i32
    %dma_start3A_91 = tpu.memref_slice %arg17[%dma_start3A_90] : memref<512xf32, #tpu.memory_space<vmem>> -> memref<128xf32, #tpu.memory_space<vmem>>
    %dma_start3A_92 = arith.constant 0 : i32
    %dma_start3A_93 = tpu.memref_slice %arg13[%dma_start3A_92] : memref<512xi32, #tpu.memory_space<vmem>> -> memref<128xi32, #tpu.memory_space<vmem>>
    %dma_start3A_94 = arith.constant 0 : i32
    %dma_start3A_95 = tpu.memref_slice %arg5[%dma_start3A_94] : memref<100001xf32, #tpu.memory_space<hbm>> -> memref<100001xf32, #tpu.memory_space<hbm>>
    tpu.enqueue_indirect_dma source(%dma_start3A_95 : memref<100001xf32, #tpu.memory_space<hbm>>) target(%dma_start3A_91 : memref<128xf32, #tpu.memory_space<vmem>>) offsets(%dma_start3A_93 : memref<128xi32, #tpu.memory_space<vmem>>) semaphore(%arg21 : memref<!tpu.dma_semaphore, #tpu.memory_space<semaphore_mem>>)
    %dma_start3A_96 = arith.constant 128 : i32
    %dma_start3A_97 = tpu.memref_slice %arg17[%dma_start3A_96] : memref<512xf32, #tpu.memory_space<vmem>> -> memref<128xf32, #tpu.memory_space<vmem>>
    %dma_start3A_98 = arith.constant 128 : i32
    %dma_start3A_99 = tpu.memref_slice %arg13[%dma_start3A_98] : memref<512xi32, #tpu.memory_space<vmem>> -> memref<128xi32, #tpu.memory_space<vmem>>
    %dma_start3A_100 = arith.constant 0 : i32
    %dma_start3A_101 = tpu.memref_slice %arg5[%dma_start3A_100] : memref<100001xf32, #tpu.memory_space<hbm>> -> memref<100001xf32, #tpu.memory_space<hbm>>
    tpu.enqueue_indirect_dma source(%dma_start3A_101 : memref<100001xf32, #tpu.memory_space<hbm>>) target(%dma_start3A_97 : memref<128xf32, #tpu.memory_space<vmem>>) offsets(%dma_start3A_99 : memref<128xi32, #tpu.memory_space<vmem>>) semaphore(%arg21 : memref<!tpu.dma_semaphore, #tpu.memory_space<semaphore_mem>>)
    %dma_start3A_102 = arith.constant 256 : i32
    %dma_start3A_103 = tpu.memref_slice %arg17[%dma_start3A_102] : memref<512xf32, #tpu.memory_space<vmem>> -> memref<128xf32, #tpu.memory_space<vmem>>
    %dma_start3A_104 = arith.constant 256 : i32
    %dma_start3A_105 = tpu.memref_slice %arg13[%dma_start3A_104] : memref<512xi32, #tpu.memory_space<vmem>> -> memref<128xi32, #tpu.memory_space<vmem>>
    %dma_start3A_106 = arith.constant 0 : i32
    %dma_start3A_107 = tpu.memref_slice %arg5[%dma_start3A_106] : memref<100001xf32, #tpu.memory_space<hbm>> -> memref<100001xf32, #tpu.memory_space<hbm>>
    tpu.enqueue_indirect_dma source(%dma_start3A_107 : memref<100001xf32, #tpu.memory_space<hbm>>) target(%dma_start3A_103 : memref<128xf32, #tpu.memory_space<vmem>>) offsets(%dma_start3A_105 : memref<128xi32, #tpu.memory_space<vmem>>) semaphore(%arg21 : memref<!tpu.dma_semaphore, #tpu.memory_space<semaphore_mem>>)
    %dma_start3A_108 = arith.constant 384 : i32
    %dma_start3A_109 = tpu.memref_slice %arg17[%dma_start3A_108] : memref<512xf32, #tpu.memory_space<vmem>> -> memref<128xf32, #tpu.memory_space<vmem>>
    %dma_start3A_110 = arith.constant 384 : i32
    %dma_start3A_111 = tpu.memref_slice %arg13[%dma_start3A_110] : memref<512xi32, #tpu.memory_space<vmem>> -> memref<128xi32, #tpu.memory_space<vmem>>
    %dma_start3A_112 = arith.constant 0 : i32
    %dma_start3A_113 = tpu.memref_slice %arg5[%dma_start3A_112] : memref<100001xf32, #tpu.memory_space<hbm>> -> memref<100001xf32, #tpu.memory_space<hbm>>
    tpu.enqueue_indirect_dma source(%dma_start3A_113 : memref<100001xf32, #tpu.memory_space<hbm>>) target(%dma_start3A_109 : memref<128xf32, #tpu.memory_space<vmem>>) offsets(%dma_start3A_111 : memref<128xi32, #tpu.memory_space<vmem>>) semaphore(%arg21 : memref<!tpu.dma_semaphore, #tpu.memory_space<semaphore_mem>>)
    %dma_wait3A = arith.constant 0 : i32
    %dma_wait3A_114 = arith.constant 0 : i32
    %dma_wait3A_115 = tpu.memref_slice %arg14[%dma_wait3A, %dma_wait3A_114] : memref<512x64xf32, #tpu.memory_space<vmem>> -> memref<128x64xf32, #tpu.memory_space<vmem>>
    %dma_wait3A_116 = arith.constant 0 : i32
    %dma_wait3A_117 = tpu.memref_slice %arg12[%dma_wait3A_116] : memref<512xi32, #tpu.memory_space<vmem>> -> memref<128xi32, #tpu.memory_space<vmem>>
    %dma_wait3A_118 = arith.constant 0 : i32
    %dma_wait3A_119 = arith.constant 0 : i32
    %dma_wait3A_120 = tpu.memref_slice %arg2[%dma_wait3A_118, %dma_wait3A_119] : memref<1000001x64xf32, #tpu.memory_space<hbm>> -> memref<1000001x64xf32, #tpu.memory_space<hbm>>
    tpu.wait_indirect_dma semaphore(%arg18 : memref<!tpu.dma_semaphore, #tpu.memory_space<semaphore_mem>>) src(%dma_wait3A_120 : memref<1000001x64xf32, #tpu.memory_space<hbm>>) dst(%dma_wait3A_115 : memref<128x64xf32, #tpu.memory_space<vmem>>)
    %dma_wait3A_121 = arith.constant 128 : i32
    %dma_wait3A_122 = arith.constant 0 : i32
    %dma_wait3A_123 = tpu.memref_slice %arg14[%dma_wait3A_121, %dma_wait3A_122] : memref<512x64xf32, #tpu.memory_space<vmem>> -> memref<128x64xf32, #tpu.memory_space<vmem>>
    %dma_wait3A_124 = arith.constant 128 : i32
    %dma_wait3A_125 = tpu.memref_slice %arg12[%dma_wait3A_124] : memref<512xi32, #tpu.memory_space<vmem>> -> memref<128xi32, #tpu.memory_space<vmem>>
    %dma_wait3A_126 = arith.constant 0 : i32
    %dma_wait3A_127 = arith.constant 0 : i32
    %dma_wait3A_128 = tpu.memref_slice %arg2[%dma_wait3A_126, %dma_wait3A_127] : memref<1000001x64xf32, #tpu.memory_space<hbm>> -> memref<1000001x64xf32, #tpu.memory_space<hbm>>
    tpu.wait_indirect_dma semaphore(%arg18 : memref<!tpu.dma_semaphore, #tpu.memory_space<semaphore_mem>>) src(%dma_wait3A_128 : memref<1000001x64xf32, #tpu.memory_space<hbm>>) dst(%dma_wait3A_123 : memref<128x64xf32, #tpu.memory_space<vmem>>)
    %dma_wait3A_129 = arith.constant 256 : i32
    %dma_wait3A_130 = arith.constant 0 : i32
    %dma_wait3A_131 = tpu.memref_slice %arg14[%dma_wait3A_129, %dma_wait3A_130] : memref<512x64xf32, #tpu.memory_space<vmem>> -> memref<128x64xf32, #tpu.memory_space<vmem>>
    %dma_wait3A_132 = arith.constant 256 : i32
    %dma_wait3A_133 = tpu.memref_slice %arg12[%dma_wait3A_132] : memref<512xi32, #tpu.memory_space<vmem>> -> memref<128xi32, #tpu.memory_space<vmem>>
    %dma_wait3A_134 = arith.constant 0 : i32
    %dma_wait3A_135 = arith.constant 0 : i32
    %dma_wait3A_136 = tpu.memref_slice %arg2[%dma_wait3A_134, %dma_wait3A_135] : memref<1000001x64xf32, #tpu.memory_space<hbm>> -> memref<1000001x64xf32, #tpu.memory_space<hbm>>
    tpu.wait_indirect_dma semaphore(%arg18 : memref<!tpu.dma_semaphore, #tpu.memory_space<semaphore_mem>>) src(%dma_wait3A_136 : memref<1000001x64xf32, #tpu.memory_space<hbm>>) dst(%dma_wait3A_131 : memref<128x64xf32, #tpu.memory_space<vmem>>)
    %dma_wait3A_137 = arith.constant 384 : i32
    %dma_wait3A_138 = arith.constant 0 : i32
    %dma_wait3A_139 = tpu.memref_slice %arg14[%dma_wait3A_137, %dma_wait3A_138] : memref<512x64xf32, #tpu.memory_space<vmem>> -> memref<128x64xf32, #tpu.memory_space<vmem>>
    %dma_wait3A_140 = arith.constant 384 : i32
    %dma_wait3A_141 = tpu.memref_slice %arg12[%dma_wait3A_140] : memref<512xi32, #tpu.memory_space<vmem>> -> memref<128xi32, #tpu.memory_space<vmem>>
    %dma_wait3A_142 = arith.constant 0 : i32
    %dma_wait3A_143 = arith.constant 0 : i32
    %dma_wait3A_144 = tpu.memref_slice %arg2[%dma_wait3A_142, %dma_wait3A_143] : memref<1000001x64xf32, #tpu.memory_space<hbm>> -> memref<1000001x64xf32, #tpu.memory_space<hbm>>
    tpu.wait_indirect_dma semaphore(%arg18 : memref<!tpu.dma_semaphore, #tpu.memory_space<semaphore_mem>>) src(%dma_wait3A_144 : memref<1000001x64xf32, #tpu.memory_space<hbm>>) dst(%dma_wait3A_139 : memref<128x64xf32, #tpu.memory_space<vmem>>)
    %dma_wait3A_145 = arith.constant 0 : i32
    %dma_wait3A_146 = arith.constant 0 : i32
    %dma_wait3A_147 = tpu.memref_slice %arg15[%dma_wait3A_145, %dma_wait3A_146] : memref<512x64xf32, #tpu.memory_space<vmem>> -> memref<128x64xf32, #tpu.memory_space<vmem>>
    %dma_wait3A_148 = arith.constant 0 : i32
    %dma_wait3A_149 = tpu.memref_slice %arg13[%dma_wait3A_148] : memref<512xi32, #tpu.memory_space<vmem>> -> memref<128xi32, #tpu.memory_space<vmem>>
    %dma_wait3A_150 = arith.constant 0 : i32
    %dma_wait3A_151 = arith.constant 0 : i32
    %dma_wait3A_152 = tpu.memref_slice %arg3[%dma_wait3A_150, %dma_wait3A_151] : memref<100001x64xf32, #tpu.memory_space<hbm>> -> memref<100001x64xf32, #tpu.memory_space<hbm>>
    tpu.wait_indirect_dma semaphore(%arg19 : memref<!tpu.dma_semaphore, #tpu.memory_space<semaphore_mem>>) src(%dma_wait3A_152 : memref<100001x64xf32, #tpu.memory_space<hbm>>) dst(%dma_wait3A_147 : memref<128x64xf32, #tpu.memory_space<vmem>>)
    %dma_wait3A_153 = arith.constant 128 : i32
    %dma_wait3A_154 = arith.constant 0 : i32
    %dma_wait3A_155 = tpu.memref_slice %arg15[%dma_wait3A_153, %dma_wait3A_154] : memref<512x64xf32, #tpu.memory_space<vmem>> -> memref<128x64xf32, #tpu.memory_space<vmem>>
    %dma_wait3A_156 = arith.constant 128 : i32
    %dma_wait3A_157 = tpu.memref_slice %arg13[%dma_wait3A_156] : memref<512xi32, #tpu.memory_space<vmem>> -> memref<128xi32, #tpu.memory_space<vmem>>
    %dma_wait3A_158 = arith.constant 0 : i32
    %dma_wait3A_159 = arith.constant 0 : i32
    %dma_wait3A_160 = tpu.memref_slice %arg3[%dma_wait3A_158, %dma_wait3A_159] : memref<100001x64xf32, #tpu.memory_space<hbm>> -> memref<100001x64xf32, #tpu.memory_space<hbm>>
    tpu.wait_indirect_dma semaphore(%arg19 : memref<!tpu.dma_semaphore, #tpu.memory_space<semaphore_mem>>) src(%dma_wait3A_160 : memref<100001x64xf32, #tpu.memory_space<hbm>>) dst(%dma_wait3A_155 : memref<128x64xf32, #tpu.memory_space<vmem>>)
    %dma_wait3A_161 = arith.constant 256 : i32
    %dma_wait3A_162 = arith.constant 0 : i32
    %dma_wait3A_163 = tpu.memref_slice %arg15[%dma_wait3A_161, %dma_wait3A_162] : memref<512x64xf32, #tpu.memory_space<vmem>> -> memref<128x64xf32, #tpu.memory_space<vmem>>
    %dma_wait3A_164 = arith.constant 256 : i32
    %dma_wait3A_165 = tpu.memref_slice %arg13[%dma_wait3A_164] : memref<512xi32, #tpu.memory_space<vmem>> -> memref<128xi32, #tpu.memory_space<vmem>>
    %dma_wait3A_166 = arith.constant 0 : i32
    %dma_wait3A_167 = arith.constant 0 : i32
    %dma_wait3A_168 = tpu.memref_slice %arg3[%dma_wait3A_166, %dma_wait3A_167] : memref<100001x64xf32, #tpu.memory_space<hbm>> -> memref<100001x64xf32, #tpu.memory_space<hbm>>
    tpu.wait_indirect_dma semaphore(%arg19 : memref<!tpu.dma_semaphore, #tpu.memory_space<semaphore_mem>>) src(%dma_wait3A_168 : memref<100001x64xf32, #tpu.memory_space<hbm>>) dst(%dma_wait3A_163 : memref<128x64xf32, #tpu.memory_space<vmem>>)
    %dma_wait3A_169 = arith.constant 384 : i32
    %dma_wait3A_170 = arith.constant 0 : i32
    %dma_wait3A_171 = tpu.memref_slice %arg15[%dma_wait3A_169, %dma_wait3A_170] : memref<512x64xf32, #tpu.memory_space<vmem>> -> memref<128x64xf32, #tpu.memory_space<vmem>>
    %dma_wait3A_172 = arith.constant 384 : i32
    %dma_wait3A_173 = tpu.memref_slice %arg13[%dma_wait3A_172] : memref<512xi32, #tpu.memory_space<vmem>> -> memref<128xi32, #tpu.memory_space<vmem>>
    %dma_wait3A_174 = arith.constant 0 : i32
    %dma_wait3A_175 = arith.constant 0 : i32
    %dma_wait3A_176 = tpu.memref_slice %arg3[%dma_wait3A_174, %dma_wait3A_175] : memref<100001x64xf32, #tpu.memory_space<hbm>> -> memref<100001x64xf32, #tpu.memory_space<hbm>>
    tpu.wait_indirect_dma semaphore(%arg19 : memref<!tpu.dma_semaphore, #tpu.memory_space<semaphore_mem>>) src(%dma_wait3A_176 : memref<100001x64xf32, #tpu.memory_space<hbm>>) dst(%dma_wait3A_171 : memref<128x64xf32, #tpu.memory_space<vmem>>)
    %dma_wait3A_177 = arith.constant 0 : i32
    %dma_wait3A_178 = tpu.memref_slice %arg16[%dma_wait3A_177] : memref<512xf32, #tpu.memory_space<vmem>> -> memref<128xf32, #tpu.memory_space<vmem>>
    %dma_wait3A_179 = arith.constant 0 : i32
    %dma_wait3A_180 = tpu.memref_slice %arg12[%dma_wait3A_179] : memref<512xi32, #tpu.memory_space<vmem>> -> memref<128xi32, #tpu.memory_space<vmem>>
    %dma_wait3A_181 = arith.constant 0 : i32
    %dma_wait3A_182 = tpu.memref_slice %arg4[%dma_wait3A_181] : memref<1000001xf32, #tpu.memory_space<hbm>> -> memref<1000001xf32, #tpu.memory_space<hbm>>
    tpu.wait_indirect_dma semaphore(%arg20 : memref<!tpu.dma_semaphore, #tpu.memory_space<semaphore_mem>>) src(%dma_wait3A_182 : memref<1000001xf32, #tpu.memory_space<hbm>>) dst(%dma_wait3A_178 : memref<128xf32, #tpu.memory_space<vmem>>)
    %dma_wait3A_183 = arith.constant 128 : i32
    %dma_wait3A_184 = tpu.memref_slice %arg16[%dma_wait3A_183] : memref<512xf32, #tpu.memory_space<vmem>> -> memref<128xf32, #tpu.memory_space<vmem>>
    %dma_wait3A_185 = arith.constant 128 : i32
    %dma_wait3A_186 = tpu.memref_slice %arg12[%dma_wait3A_185] : memref<512xi32, #tpu.memory_space<vmem>> -> memref<128xi32, #tpu.memory_space<vmem>>
    %dma_wait3A_187 = arith.constant 0 : i32
    %dma_wait3A_188 = tpu.memref_slice %arg4[%dma_wait3A_187] : memref<1000001xf32, #tpu.memory_space<hbm>> -> memref<1000001xf32, #tpu.memory_space<hbm>>
    tpu.wait_indirect_dma semaphore(%arg20 : memref<!tpu.dma_semaphore, #tpu.memory_space<semaphore_mem>>) src(%dma_wait3A_188 : memref<1000001xf32, #tpu.memory_space<hbm>>) dst(%dma_wait3A_184 : memref<128xf32, #tpu.memory_space<vmem>>)
    %dma_wait3A_189 = arith.constant 256 : i32
    %dma_wait3A_190 = tpu.memref_slice %arg16[%dma_wait3A_189] : memref<512xf32, #tpu.memory_space<vmem>> -> memref<128xf32, #tpu.memory_space<vmem>>
    %dma_wait3A_191 = arith.constant 256 : i32
    %dma_wait3A_192 = tpu.memref_slice %arg12[%dma_wait3A_191] : memref<512xi32, #tpu.memory_space<vmem>> -> memref<128xi32, #tpu.memory_space<vmem>>
    %dma_wait3A_193 = arith.constant 0 : i32
    %dma_wait3A_194 = tpu.memref_slice %arg4[%dma_wait3A_193] : memref<1000001xf32, #tpu.memory_space<hbm>> -> memref<1000001xf32, #tpu.memory_space<hbm>>
    tpu.wait_indirect_dma semaphore(%arg20 : memref<!tpu.dma_semaphore, #tpu.memory_space<semaphore_mem>>) src(%dma_wait3A_194 : memref<1000001xf32, #tpu.memory_space<hbm>>) dst(%dma_wait3A_190 : memref<128xf32, #tpu.memory_space<vmem>>)
    %dma_wait3A_195 = arith.constant 384 : i32
    %dma_wait3A_196 = tpu.memref_slice %arg16[%dma_wait3A_195] : memref<512xf32, #tpu.memory_space<vmem>> -> memref<128xf32, #tpu.memory_space<vmem>>
    %dma_wait3A_197 = arith.constant 384 : i32
    %dma_wait3A_198 = tpu.memref_slice %arg12[%dma_wait3A_197] : memref<512xi32, #tpu.memory_space<vmem>> -> memref<128xi32, #tpu.memory_space<vmem>>
    %dma_wait3A_199 = arith.constant 0 : i32
    %dma_wait3A_200 = tpu.memref_slice %arg4[%dma_wait3A_199] : memref<1000001xf32, #tpu.memory_space<hbm>> -> memref<1000001xf32, #tpu.memory_space<hbm>>
    tpu.wait_indirect_dma semaphore(%arg20 : memref<!tpu.dma_semaphore, #tpu.memory_space<semaphore_mem>>) src(%dma_wait3A_200 : memref<1000001xf32, #tpu.memory_space<hbm>>) dst(%dma_wait3A_196 : memref<128xf32, #tpu.memory_space<vmem>>)
    %dma_wait3A_201 = arith.constant 0 : i32
    %dma_wait3A_202 = tpu.memref_slice %arg17[%dma_wait3A_201] : memref<512xf32, #tpu.memory_space<vmem>> -> memref<128xf32, #tpu.memory_space<vmem>>
    %dma_wait3A_203 = arith.constant 0 : i32
    %dma_wait3A_204 = tpu.memref_slice %arg13[%dma_wait3A_203] : memref<512xi32, #tpu.memory_space<vmem>> -> memref<128xi32, #tpu.memory_space<vmem>>
    %dma_wait3A_205 = arith.constant 0 : i32
    %dma_wait3A_206 = tpu.memref_slice %arg5[%dma_wait3A_205] : memref<100001xf32, #tpu.memory_space<hbm>> -> memref<100001xf32, #tpu.memory_space<hbm>>
    tpu.wait_indirect_dma semaphore(%arg21 : memref<!tpu.dma_semaphore, #tpu.memory_space<semaphore_mem>>) src(%dma_wait3A_206 : memref<100001xf32, #tpu.memory_space<hbm>>) dst(%dma_wait3A_202 : memref<128xf32, #tpu.memory_space<vmem>>)
    %dma_wait3A_207 = arith.constant 128 : i32
    %dma_wait3A_208 = tpu.memref_slice %arg17[%dma_wait3A_207] : memref<512xf32, #tpu.memory_space<vmem>> -> memref<128xf32, #tpu.memory_space<vmem>>
    %dma_wait3A_209 = arith.constant 128 : i32
    %dma_wait3A_210 = tpu.memref_slice %arg13[%dma_wait3A_209] : memref<512xi32, #tpu.memory_space<vmem>> -> memref<128xi32, #tpu.memory_space<vmem>>
    %dma_wait3A_211 = arith.constant 0 : i32
    %dma_wait3A_212 = tpu.memref_slice %arg5[%dma_wait3A_211] : memref<100001xf32, #tpu.memory_space<hbm>> -> memref<100001xf32, #tpu.memory_space<hbm>>
    tpu.wait_indirect_dma semaphore(%arg21 : memref<!tpu.dma_semaphore, #tpu.memory_space<semaphore_mem>>) src(%dma_wait3A_212 : memref<100001xf32, #tpu.memory_space<hbm>>) dst(%dma_wait3A_208 : memref<128xf32, #tpu.memory_space<vmem>>)
    %dma_wait3A_213 = arith.constant 256 : i32
    %dma_wait3A_214 = tpu.memref_slice %arg17[%dma_wait3A_213] : memref<512xf32, #tpu.memory_space<vmem>> -> memref<128xf32, #tpu.memory_space<vmem>>
    %dma_wait3A_215 = arith.constant 256 : i32
    %dma_wait3A_216 = tpu.memref_slice %arg13[%dma_wait3A_215] : memref<512xi32, #tpu.memory_space<vmem>> -> memref<128xi32, #tpu.memory_space<vmem>>
    %dma_wait3A_217 = arith.constant 0 : i32
    %dma_wait3A_218 = tpu.memref_slice %arg5[%dma_wait3A_217] : memref<100001xf32, #tpu.memory_space<hbm>> -> memref<100001xf32, #tpu.memory_space<hbm>>
    tpu.wait_indirect_dma semaphore(%arg21 : memref<!tpu.dma_semaphore, #tpu.memory_space<semaphore_mem>>) src(%dma_wait3A_218 : memref<100001xf32, #tpu.memory_space<hbm>>) dst(%dma_wait3A_214 : memref<128xf32, #tpu.memory_space<vmem>>)
    %dma_wait3A_219 = arith.constant 384 : i32
    %dma_wait3A_220 = tpu.memref_slice %arg17[%dma_wait3A_219] : memref<512xf32, #tpu.memory_space<vmem>> -> memref<128xf32, #tpu.memory_space<vmem>>
    %dma_wait3A_221 = arith.constant 384 : i32
    %dma_wait3A_222 = tpu.memref_slice %arg13[%dma_wait3A_221] : memref<512xi32, #tpu.memory_space<vmem>> -> memref<128xi32, #tpu.memory_space<vmem>>
    %dma_wait3A_223 = arith.constant 0 : i32
    %dma_wait3A_224 = tpu.memref_slice %arg5[%dma_wait3A_223] : memref<100001xf32, #tpu.memory_space<hbm>> -> memref<100001xf32, #tpu.memory_space<hbm>>
    tpu.wait_indirect_dma semaphore(%arg21 : memref<!tpu.dma_semaphore, #tpu.memory_space<semaphore_mem>>) src(%dma_wait3A_224 : memref<100001xf32, #tpu.memory_space<hbm>>) dst(%dma_wait3A_220 : memref<128xf32, #tpu.memory_space<vmem>>)
    "tpu.region"() ({
      %run_scoped3A = tpu.sem_alloc : memref<!tpu.dma_semaphore, #tpu.memory_space<semaphore_mem>>
      %dma_start3A_225 = arith.constant 0 : i32
      %dma_start3A_226 = tpu.memref_slice %arg8[%mul3A_2, %dma_start3A_225] : memref<16384x64xf32, #tpu.memory_space<hbm>> -> memref<512x64xf32, #tpu.memory_space<hbm>>
      %dma_start3A_227 = arith.constant 0 : i32
      %dma_start3A_228 = tpu.memref_slice %arg8[%mul3A_2, %dma_start3A_227] : memref<16384x64xf32, #tpu.memory_space<hbm>> -> memref<512x64xf32, #tpu.memory_space<hbm>>
      tpu.enqueue_dma source(%arg14 : memref<512x64xf32, #tpu.memory_space<vmem>>) target(%dma_start3A_228 : memref<512x64xf32, #tpu.memory_space<hbm>>) target_semaphore(%run_scoped3A : memref<!tpu.dma_semaphore, #tpu.memory_space<semaphore_mem>>)
      %dma_wait3A_229 = arith.constant 0 : i32
      %dma_wait3A_230 = tpu.memref_slice %arg8[%mul3A_2, %dma_wait3A_229] : memref<16384x64xf32, #tpu.memory_space<hbm>> -> memref<512x64xf32, #tpu.memory_space<hbm>>
      %dma_wait3A_231 = arith.constant 0 : i32
      %dma_wait3A_232 = tpu.memref_slice %arg8[%mul3A_2, %dma_wait3A_231] : memref<16384x64xf32, #tpu.memory_space<hbm>> -> memref<512x64xf32, #tpu.memory_space<hbm>>
      tpu.wait_dma2 semaphore(%run_scoped3A : memref<!tpu.dma_semaphore, #tpu.memory_space<semaphore_mem>>) src(%arg14 : memref<512x64xf32, #tpu.memory_space<vmem>>) dst(%dma_wait3A_232 : memref<512x64xf32, #tpu.memory_space<hbm>>)
      tpu.yield
    }) : () -> ()
    "tpu.region"() ({
      %run_scoped3A = tpu.sem_alloc : memref<!tpu.dma_semaphore, #tpu.memory_space<semaphore_mem>>
      %dma_start3A_225 = arith.constant 0 : i32
      %dma_start3A_226 = tpu.memref_slice %arg9[%mul3A_2, %dma_start3A_225] : memref<16384x64xf32, #tpu.memory_space<hbm>> -> memref<512x64xf32, #tpu.memory_space<hbm>>
      %dma_start3A_227 = arith.constant 0 : i32
      %dma_start3A_228 = tpu.memref_slice %arg9[%mul3A_2, %dma_start3A_227] : memref<16384x64xf32, #tpu.memory_space<hbm>> -> memref<512x64xf32, #tpu.memory_space<hbm>>
      tpu.enqueue_dma source(%arg15 : memref<512x64xf32, #tpu.memory_space<vmem>>) target(%dma_start3A_228 : memref<512x64xf32, #tpu.memory_space<hbm>>) target_semaphore(%run_scoped3A : memref<!tpu.dma_semaphore, #tpu.memory_space<semaphore_mem>>)
      %dma_wait3A_229 = arith.constant 0 : i32
      %dma_wait3A_230 = tpu.memref_slice %arg9[%mul3A_2, %dma_wait3A_229] : memref<16384x64xf32, #tpu.memory_space<hbm>> -> memref<512x64xf32, #tpu.memory_space<hbm>>
      %dma_wait3A_231 = arith.constant 0 : i32
      %dma_wait3A_232 = tpu.memref_slice %arg9[%mul3A_2, %dma_wait3A_231] : memref<16384x64xf32, #tpu.memory_space<hbm>> -> memref<512x64xf32, #tpu.memory_space<hbm>>
      tpu.wait_dma2 semaphore(%run_scoped3A : memref<!tpu.dma_semaphore, #tpu.memory_space<semaphore_mem>>) src(%arg15 : memref<512x64xf32, #tpu.memory_space<vmem>>) dst(%dma_wait3A_232 : memref<512x64xf32, #tpu.memory_space<hbm>>)
      tpu.yield
    }) : () -> ()
    "tpu.region"() ({
      %run_scoped3A = tpu.sem_alloc : memref<!tpu.dma_semaphore, #tpu.memory_space<semaphore_mem>>
      %dma_start3A_225 = tpu.memref_slice %arg10[%mul3A_2] : memref<16384xf32, #tpu.memory_space<hbm>> -> memref<512xf32, #tpu.memory_space<hbm>>
      %dma_start3A_226 = tpu.memref_slice %arg10[%mul3A_2] : memref<16384xf32, #tpu.memory_space<hbm>> -> memref<512xf32, #tpu.memory_space<hbm>>
      tpu.enqueue_dma source(%arg16 : memref<512xf32, #tpu.memory_space<vmem>>) target(%dma_start3A_226 : memref<512xf32, #tpu.memory_space<hbm>>) target_semaphore(%run_scoped3A : memref<!tpu.dma_semaphore, #tpu.memory_space<semaphore_mem>>)
      %dma_wait3A_227 = tpu.memref_slice %arg10[%mul3A_2] : memref<16384xf32, #tpu.memory_space<hbm>> -> memref<512xf32, #tpu.memory_space<hbm>>
      %dma_wait3A_228 = tpu.memref_slice %arg10[%mul3A_2] : memref<16384xf32, #tpu.memory_space<hbm>> -> memref<512xf32, #tpu.memory_space<hbm>>
      tpu.wait_dma2 semaphore(%run_scoped3A : memref<!tpu.dma_semaphore, #tpu.memory_space<semaphore_mem>>) src(%arg16 : memref<512xf32, #tpu.memory_space<vmem>>) dst(%dma_wait3A_228 : memref<512xf32, #tpu.memory_space<hbm>>)
      tpu.yield
    }) : () -> ()
    "tpu.region"() ({
      %run_scoped3A = tpu.sem_alloc : memref<!tpu.dma_semaphore, #tpu.memory_space<semaphore_mem>>
      %dma_start3A_225 = tpu.memref_slice %arg11[%mul3A_2] : memref<16384xf32, #tpu.memory_space<hbm>> -> memref<512xf32, #tpu.memory_space<hbm>>
      %dma_start3A_226 = tpu.memref_slice %arg11[%mul3A_2] : memref<16384xf32, #tpu.memory_space<hbm>> -> memref<512xf32, #tpu.memory_space<hbm>>
      tpu.enqueue_dma source(%arg17 : memref<512xf32, #tpu.memory_space<vmem>>) target(%dma_start3A_226 : memref<512xf32, #tpu.memory_space<hbm>>) target_semaphore(%run_scoped3A : memref<!tpu.dma_semaphore, #tpu.memory_space<semaphore_mem>>)
      %dma_wait3A_227 = tpu.memref_slice %arg11[%mul3A_2] : memref<16384xf32, #tpu.memory_space<hbm>> -> memref<512xf32, #tpu.memory_space<hbm>>
      %dma_wait3A_228 = tpu.memref_slice %arg11[%mul3A_2] : memref<16384xf32, #tpu.memory_space<hbm>> -> memref<512xf32, #tpu.memory_space<hbm>>
      tpu.wait_dma2 semaphore(%run_scoped3A : memref<!tpu.dma_semaphore, #tpu.memory_space<semaphore_mem>>) src(%arg17 : memref<512xf32, #tpu.memory_space<vmem>>) dst(%dma_wait3A_228 : memref<512xf32, #tpu.memory_space<hbm>>)
      tpu.yield
    }) : () -> ()
    return
  }
}

module attributes {stable_mosaic.version = 14 : i64} {
  func.func @_tc_mlp_body(%arg0: i32, %arg1: memref<2048x9xf32, #tpu.memory_space<vmem>>, %arg2: memref<2048x64xf32, #tpu.memory_space<vmem>>, %arg3: memref<2048x64xf32, #tpu.memory_space<vmem>>, %arg4: memref<2048x1xf32, #tpu.memory_space<vmem>>, %arg5: memref<2048x1xf32, #tpu.memory_space<vmem>>, %arg6: memref<64x256xf32, #tpu.memory_space<vmem>>, %arg7: memref<64x256xf32, #tpu.memory_space<vmem>>, %arg8: memref<128x256xf32, #tpu.memory_space<vmem>>, %arg9: memref<3x256xf32, #tpu.memory_space<vmem>>, %arg10: memref<1x256xf32, #tpu.memory_space<vmem>>, %arg11: memref<256x128xf32, #tpu.memory_space<vmem>>, %arg12: memref<1x128xf32, #tpu.memory_space<vmem>>, %arg13: memref<128x1xf32, #tpu.memory_space<vmem>>, %arg14: memref<896x1xf32, #tpu.memory_space<vmem>>, %arg15: memref<1x4xf32, #tpu.memory_space<smem>>, %arg16: memref<2048x1xf32, #tpu.memory_space<vmem>>) attributes {dimension_semantics = [#tpu.dimension_semantics<parallel>], iteration_bounds = array<i64: 8>, scalar_prefetch = 0 : i64, scratch_operands = 0 : i64, tpu.core_type = #tpu.core_type<tc>, window_params = [{transform_indices = @transform_0, window_bounds = array<i64: 2048, 9>}, {transform_indices = @transform_1, window_bounds = array<i64: 2048, 64>}, {transform_indices = @transform_2, window_bounds = array<i64: 2048, 64>}, {transform_indices = @transform_3, window_bounds = array<i64: 2048, 1>}, {transform_indices = @transform_4, window_bounds = array<i64: 2048, 1>}, {pipeline_mode = #tpu.pipeline_mode<synchronous>, transform_indices = @transform_5, window_bounds = array<i64: 64, 256>}, {pipeline_mode = #tpu.pipeline_mode<synchronous>, transform_indices = @transform_6, window_bounds = array<i64: 64, 256>}, {pipeline_mode = #tpu.pipeline_mode<synchronous>, transform_indices = @transform_7, window_bounds = array<i64: 128, 256>}, {pipeline_mode = #tpu.pipeline_mode<synchronous>, transform_indices = @transform_8, window_bounds = array<i64: 3, 256>}, {pipeline_mode = #tpu.pipeline_mode<synchronous>, transform_indices = @transform_9, window_bounds = array<i64: 1, 256>}, {pipeline_mode = #tpu.pipeline_mode<synchronous>, transform_indices = @transform_10, window_bounds = array<i64: 256, 128>}, {pipeline_mode = #tpu.pipeline_mode<synchronous>, transform_indices = @transform_11, window_bounds = array<i64: 1, 128>}, {pipeline_mode = #tpu.pipeline_mode<synchronous>, transform_indices = @transform_12, window_bounds = array<i64: 128, 1>}, {pipeline_mode = #tpu.pipeline_mode<synchronous>, transform_indices = @transform_13, window_bounds = array<i64: 896, 1>}, {transform_indices = @transform_14, window_bounds = array<i64: 1, 4>}, {transform_indices = @transform_15, window_bounds = array<i64: 2048, 1>}]} {
    %get3A = arith.constant 0 : index
    %get3A_0 = arith.constant 0 : index
    %get3A_1 = vector.load %arg1[%get3A, %get3A_0] : memref<2048x9xf32, #tpu.memory_space<vmem>>, vector<2048x9xf32>
    %convert_element_type3A = arith.fptosi %get3A_1 : vector<2048x9xf32> to vector<2048x9xi32>
    %slice3A = vector.extract_strided_slice %convert_element_type3A {offsets = [0, 2], sizes = [2048, 1], strides = [1, 1]} : vector<2048x9xi32> to vector<2048x1xi32>
    %slice3A_2 = vector.extract_strided_slice %convert_element_type3A {offsets = [0, 3], sizes = [2048, 1], strides = [1, 1]} : vector<2048x9xi32> to vector<2048x1xi32>
    %slice3A_3 = vector.extract_strided_slice %convert_element_type3A {offsets = [0, 4], sizes = [2048, 1], strides = [1, 1]} : vector<2048x9xi32> to vector<2048x1xi32>
    %slice3A_4 = vector.extract_strided_slice %convert_element_type3A {offsets = [0, 5], sizes = [2048, 1], strides = [1, 1]} : vector<2048x9xi32> to vector<2048x1xi32>
    %slice3A_5 = vector.extract_strided_slice %convert_element_type3A {offsets = [0, 6], sizes = [2048, 1], strides = [1, 1]} : vector<2048x9xi32> to vector<2048x1xi32>
    %slice3A_6 = vector.extract_strided_slice %get3A_1 {offsets = [0, 2], sizes = [2048, 1], strides = [1, 1]} : vector<2048x9xf32> to vector<2048x1xf32>
    %slice3A_7 = vector.extract_strided_slice %get3A_1 {offsets = [0, 7], sizes = [2048, 1], strides = [1, 1]} : vector<2048x9xf32> to vector<2048x1xf32>
    %slice3A_8 = vector.extract_strided_slice %get3A_1 {offsets = [0, 8], sizes = [2048, 1], strides = [1, 1]} : vector<2048x9xf32> to vector<2048x1xf32>
    %iota3A = tpu.iota {dimensions = array<i32: 1>} : vector<2048x128xi32>
    %add3A = arith.constant 0 : i32
    %add3A_9 = vector.broadcast %add3A : i32 to vector<2048x1xi32>
    %add3A_10 = arith.addi %slice3A_2, %add3A_9 : vector<2048x1xi32>
    %eq3A = vector.broadcast %add3A_10 : vector<2048x1xi32> to vector<2048x128xi32>
    %eq3A_11 = arith.cmpi eq, %iota3A, %eq3A : vector<2048x128xi32>
    %jit3A = arith.constant 1.000000e+00 : f32
    %jit3A_12 = arith.constant 0.000000e+00 : f32
    %broadcast_in_dim3A = vector.broadcast %jit3A : f32 to vector<2048x128xf32>
    %broadcast_in_dim3A_13 = vector.broadcast %jit3A_12 : f32 to vector<2048x128xf32>
    %select_n3A = arith.select %eq3A_11, %broadcast_in_dim3A, %broadcast_in_dim3A_13 : vector<2048x128xi1>, vector<2048x128xf32>
    %iota3A_14 = tpu.iota {dimensions = array<i32: 1>} : vector<2048x128xi32>
    %add3A_15 = arith.constant 8 : i32
    %add3A_16 = vector.broadcast %add3A_15 : i32 to vector<2048x1xi32>
    %add3A_17 = arith.addi %slice3A_3, %add3A_16 : vector<2048x1xi32>
    %eq3A_18 = vector.broadcast %add3A_17 : vector<2048x1xi32> to vector<2048x128xi32>
    %eq3A_19 = arith.cmpi eq, %iota3A_14, %eq3A_18 : vector<2048x128xi32>
    %jit3A_20 = arith.constant 1.000000e+00 : f32
    %jit3A_21 = arith.constant 0.000000e+00 : f32
    %broadcast_in_dim3A_22 = vector.broadcast %jit3A_20 : f32 to vector<2048x128xf32>
    %broadcast_in_dim3A_23 = vector.broadcast %jit3A_21 : f32 to vector<2048x128xf32>
    %select_n3A_24 = arith.select %eq3A_19, %broadcast_in_dim3A_22, %broadcast_in_dim3A_23 : vector<2048x128xi1>, vector<2048x128xf32>
    %add3A_25 = arith.addf %select_n3A, %select_n3A_24 : vector<2048x128xf32>
    %iota3A_26 = tpu.iota {dimensions = array<i32: 1>} : vector<2048x128xi32>
    %add3A_27 = arith.constant 30 : i32
    %add3A_28 = vector.broadcast %add3A_27 : i32 to vector<2048x1xi32>
    %add3A_29 = arith.addi %slice3A_4, %add3A_28 : vector<2048x1xi32>
    %eq3A_30 = vector.broadcast %add3A_29 : vector<2048x1xi32> to vector<2048x128xi32>
    %eq3A_31 = arith.cmpi eq, %iota3A_26, %eq3A_30 : vector<2048x128xi32>
    %jit3A_32 = arith.constant 1.000000e+00 : f32
    %jit3A_33 = arith.constant 0.000000e+00 : f32
    %broadcast_in_dim3A_34 = vector.broadcast %jit3A_32 : f32 to vector<2048x128xf32>
    %broadcast_in_dim3A_35 = vector.broadcast %jit3A_33 : f32 to vector<2048x128xf32>
    %select_n3A_36 = arith.select %eq3A_31, %broadcast_in_dim3A_34, %broadcast_in_dim3A_35 : vector<2048x128xi1>, vector<2048x128xf32>
    %add3A_37 = arith.addf %add3A_25, %select_n3A_36 : vector<2048x128xf32>
    %iota3A_38 = tpu.iota {dimensions = array<i32: 1>} : vector<2048x128xi32>
    %add3A_39 = arith.constant 113 : i32
    %add3A_40 = vector.broadcast %add3A_39 : i32 to vector<2048x1xi32>
    %add3A_41 = arith.addi %slice3A_5, %add3A_40 : vector<2048x1xi32>
    %eq3A_42 = vector.broadcast %add3A_41 : vector<2048x1xi32> to vector<2048x128xi32>
    %eq3A_43 = arith.cmpi eq, %iota3A_38, %eq3A_42 : vector<2048x128xi32>
    %jit3A_44 = arith.constant 1.000000e+00 : f32
    %jit3A_45 = arith.constant 0.000000e+00 : f32
    %broadcast_in_dim3A_46 = vector.broadcast %jit3A_44 : f32 to vector<2048x128xf32>
    %broadcast_in_dim3A_47 = vector.broadcast %jit3A_45 : f32 to vector<2048x128xf32>
    %select_n3A_48 = arith.select %eq3A_43, %broadcast_in_dim3A_46, %broadcast_in_dim3A_47 : vector<2048x128xi1>, vector<2048x128xf32>
    %add3A_49 = arith.addf %add3A_37, %select_n3A_48 : vector<2048x128xf32>
    %get3A_50 = arith.constant 0 : index
    %get3A_51 = arith.constant 0 : index
    %get3A_52 = vector.load %arg2[%get3A_50, %get3A_51] : memref<2048x64xf32, #tpu.memory_space<vmem>>, vector<2048x64xf32>
    %get3A_53 = arith.constant 0 : index
    %get3A_54 = arith.constant 0 : index
    %get3A_55 = vector.load %arg6[%get3A_53, %get3A_54] : memref<64x256xf32, #tpu.memory_space<vmem>>, vector<64x256xf32>
    %dot_general3A = arith.constant dense<0.000000e+00> : vector<2048x256xf32>
    %dot_general3A_56 = tpu.matmul %get3A_52, %get3A_55, %dot_general3A {dimension_numbers = #tpu.dot_dimension_numbers<[1], [0], [0], [1], [0, 0, 1, 1], [], []>, transpose_lhs_hint = false} : vector<2048x64xf32>, vector<64x256xf32>, vector<2048x256xf32> -> vector<2048x256xf32>
    %get3A_57 = arith.constant 0 : index
    %get3A_58 = arith.constant 0 : index
    %get3A_59 = vector.load %arg3[%get3A_57, %get3A_58] : memref<2048x64xf32, #tpu.memory_space<vmem>>, vector<2048x64xf32>
    %get3A_60 = arith.constant 0 : index
    %get3A_61 = arith.constant 0 : index
    %get3A_62 = vector.load %arg7[%get3A_60, %get3A_61] : memref<64x256xf32, #tpu.memory_space<vmem>>, vector<64x256xf32>
    %dot_general3A_63 = arith.constant dense<0.000000e+00> : vector<2048x256xf32>
    %dot_general3A_64 = tpu.matmul %get3A_59, %get3A_62, %dot_general3A_63 {dimension_numbers = #tpu.dot_dimension_numbers<[1], [0], [0], [1], [0, 0, 1, 1], [], []>, transpose_lhs_hint = false} : vector<2048x64xf32>, vector<64x256xf32>, vector<2048x256xf32> -> vector<2048x256xf32>
    %add3A_65 = arith.addf %dot_general3A_56, %dot_general3A_64 : vector<2048x256xf32>
    %get3A_66 = arith.constant 0 : index
    %get3A_67 = arith.constant 0 : index
    %get3A_68 = vector.load %arg8[%get3A_66, %get3A_67] : memref<128x256xf32, #tpu.memory_space<vmem>>, vector<128x256xf32>
    %dot_general3A_69 = arith.constant dense<0.000000e+00> : vector<2048x256xf32>
    %dot_general3A_70 = tpu.matmul %add3A_49, %get3A_68, %dot_general3A_69 {dimension_numbers = #tpu.dot_dimension_numbers<[1], [0], [0], [1], [0, 0, 1, 1], [], []>, transpose_lhs_hint = false} : vector<2048x128xf32>, vector<128x256xf32>, vector<2048x256xf32> -> vector<2048x256xf32>
    %add3A_71 = arith.addf %add3A_65, %dot_general3A_70 : vector<2048x256xf32>
    %get3A_72 = arith.constant 0 : index
    %get3A_73 = arith.constant 0 : index
    %get3A_74 = vector.load %arg9[%get3A_72, %get3A_73] : memref<3x256xf32, #tpu.memory_space<vmem>>, vector<1x256xf32>
    %mul3A = vector.broadcast %slice3A_6 : vector<2048x1xf32> to vector<2048x256xf32>
    %mul3A_75 = vector.broadcast %get3A_74 : vector<1x256xf32> to vector<2048x256xf32>
    %mul3A_76 = arith.mulf %mul3A, %mul3A_75 : vector<2048x256xf32>
    %add3A_77 = arith.addf %add3A_71, %mul3A_76 : vector<2048x256xf32>
    %get3A_78 = arith.constant 1 : index
    %get3A_79 = arith.constant 0 : index
    %get3A_80 = vector.load %arg9[%get3A_78, %get3A_79] : memref<3x256xf32, #tpu.memory_space<vmem>>, vector<1x256xf32>
    %mul3A_81 = vector.broadcast %slice3A_7 : vector<2048x1xf32> to vector<2048x256xf32>
    %mul3A_82 = vector.broadcast %get3A_80 : vector<1x256xf32> to vector<2048x256xf32>
    %mul3A_83 = arith.mulf %mul3A_81, %mul3A_82 : vector<2048x256xf32>
    %add3A_84 = arith.addf %add3A_77, %mul3A_83 : vector<2048x256xf32>
    %get3A_85 = arith.constant 2 : index
    %get3A_86 = arith.constant 0 : index
    %get3A_87 = vector.load %arg9[%get3A_85, %get3A_86] : memref<3x256xf32, #tpu.memory_space<vmem>>, vector<1x256xf32>
    %mul3A_88 = vector.broadcast %slice3A_8 : vector<2048x1xf32> to vector<2048x256xf32>
    %mul3A_89 = vector.broadcast %get3A_87 : vector<1x256xf32> to vector<2048x256xf32>
    %mul3A_90 = arith.mulf %mul3A_88, %mul3A_89 : vector<2048x256xf32>
    %add3A_91 = arith.addf %add3A_84, %mul3A_90 : vector<2048x256xf32>
    %get3A_92 = arith.constant 0 : index
    %get3A_93 = arith.constant 0 : index
    %get3A_94 = vector.load %arg10[%get3A_92, %get3A_93] : memref<1x256xf32, #tpu.memory_space<vmem>>, vector<1x256xf32>
    %add3A_95 = vector.broadcast %get3A_94 : vector<1x256xf32> to vector<2048x256xf32>
    %add3A_96 = arith.addf %add3A_91, %add3A_95 : vector<2048x256xf32>
    %max3A = arith.constant 0.000000e+00 : f32
    %max3A_97 = vector.broadcast %max3A : f32 to vector<2048x256xf32>
    %max3A_98 = arith.maximumf %add3A_96, %max3A_97 : vector<2048x256xf32>
    %get3A_99 = arith.constant 0 : index
    %get3A_100 = arith.constant 0 : index
    %get3A_101 = vector.load %arg11[%get3A_99, %get3A_100] : memref<256x128xf32, #tpu.memory_space<vmem>>, vector<256x128xf32>
    %dot_general3A_102 = arith.constant dense<0.000000e+00> : vector<2048x128xf32>
    %dot_general3A_103 = tpu.matmul %max3A_98, %get3A_101, %dot_general3A_102 {dimension_numbers = #tpu.dot_dimension_numbers<[1], [0], [0], [1], [0, 0, 1, 1], [], []>, transpose_lhs_hint = false} : vector<2048x256xf32>, vector<256x128xf32>, vector<2048x128xf32> -> vector<2048x128xf32>
    %get3A_104 = arith.constant 0 : index
    %get3A_105 = arith.constant 0 : index
    %get3A_106 = vector.load %arg12[%get3A_104, %get3A_105] : memref<1x128xf32, #tpu.memory_space<vmem>>, vector<1x128xf32>
    %add3A_107 = vector.broadcast %get3A_106 : vector<1x128xf32> to vector<2048x128xf32>
    %add3A_108 = arith.addf %dot_general3A_103, %add3A_107 : vector<2048x128xf32>
    %max3A_109 = arith.constant 0.000000e+00 : f32
    %max3A_110 = vector.broadcast %max3A_109 : f32 to vector<2048x128xf32>
    %max3A_111 = arith.maximumf %add3A_108, %max3A_110 : vector<2048x128xf32>
    %get3A_112 = arith.constant 0 : index
    %get3A_113 = arith.constant 0 : index
    %get3A_114 = vector.load %arg13[%get3A_112, %get3A_113] : memref<128x1xf32, #tpu.memory_space<vmem>>, vector<128x1xf32>
    %dot_general3A_115 = arith.constant dense<0.000000e+00> : vector<2048x1xf32>
    %dot_general3A_116 = tpu.matmul %max3A_111, %get3A_114, %dot_general3A_115 {dimension_numbers = #tpu.dot_dimension_numbers<[1], [0], [0], [1], [0, 0, 1, 1], [], []>, transpose_lhs_hint = false} : vector<2048x128xf32>, vector<128x1xf32>, vector<2048x1xf32> -> vector<2048x1xf32>
    %get3A_117 = arith.constant 0 : index
    %get3A_118 = arith.constant 3 : index
    %get3A_119 = memref.load %arg15[%get3A_117, %get3A_118] : memref<1x4xf32, #tpu.memory_space<smem>>
    %add3A_120 = vector.broadcast %get3A_119 : f32 to vector<2048x1xf32>
    %add3A_121 = arith.addf %dot_general3A_116, %add3A_120 : vector<2048x1xf32>
    %iota3A_122 = tpu.iota {dimensions = array<i32: 1>} : vector<2048x896xi32>
    %add3A_123 = arith.constant 0 : i32
    %add3A_124 = vector.broadcast %add3A_123 : i32 to vector<2048x1xi32>
    %add3A_125 = arith.addi %slice3A, %add3A_124 : vector<2048x1xi32>
    %eq3A_126 = vector.broadcast %add3A_125 : vector<2048x1xi32> to vector<2048x896xi32>
    %eq3A_127 = arith.cmpi eq, %iota3A_122, %eq3A_126 : vector<2048x896xi32>
    %jit3A_128 = arith.constant 1.000000e+00 : f32
    %jit3A_129 = arith.constant 0.000000e+00 : f32
    %broadcast_in_dim3A_130 = vector.broadcast %jit3A_128 : f32 to vector<2048x896xf32>
    %broadcast_in_dim3A_131 = vector.broadcast %jit3A_129 : f32 to vector<2048x896xf32>
    %select_n3A_132 = arith.select %eq3A_127, %broadcast_in_dim3A_130, %broadcast_in_dim3A_131 : vector<2048x896xi1>, vector<2048x896xf32>
    %iota3A_133 = tpu.iota {dimensions = array<i32: 1>} : vector<2048x896xi32>
    %add3A_134 = arith.constant 2 : i32
    %add3A_135 = vector.broadcast %add3A_134 : i32 to vector<2048x1xi32>
    %add3A_136 = arith.addi %slice3A_2, %add3A_135 : vector<2048x1xi32>
    %eq3A_137 = vector.broadcast %add3A_136 : vector<2048x1xi32> to vector<2048x896xi32>
    %eq3A_138 = arith.cmpi eq, %iota3A_133, %eq3A_137 : vector<2048x896xi32>
    %jit3A_139 = arith.constant 1.000000e+00 : f32
    %jit3A_140 = arith.constant 0.000000e+00 : f32
    %broadcast_in_dim3A_141 = vector.broadcast %jit3A_139 : f32 to vector<2048x896xf32>
    %broadcast_in_dim3A_142 = vector.broadcast %jit3A_140 : f32 to vector<2048x896xf32>
    %select_n3A_143 = arith.select %eq3A_138, %broadcast_in_dim3A_141, %broadcast_in_dim3A_142 : vector<2048x896xi1>, vector<2048x896xf32>
    %add3A_144 = arith.addf %select_n3A_132, %select_n3A_143 : vector<2048x896xf32>
    %iota3A_145 = tpu.iota {dimensions = array<i32: 1>} : vector<2048x896xi32>
    %add3A_146 = arith.constant 10 : i32
    %add3A_147 = vector.broadcast %add3A_146 : i32 to vector<2048x1xi32>
    %add3A_148 = arith.addi %slice3A_3, %add3A_147 : vector<2048x1xi32>
    %eq3A_149 = vector.broadcast %add3A_148 : vector<2048x1xi32> to vector<2048x896xi32>
    %eq3A_150 = arith.cmpi eq, %iota3A_145, %eq3A_149 : vector<2048x896xi32>
    %jit3A_151 = arith.constant 1.000000e+00 : f32
    %jit3A_152 = arith.constant 0.000000e+00 : f32
    %broadcast_in_dim3A_153 = vector.broadcast %jit3A_151 : f32 to vector<2048x896xf32>
    %broadcast_in_dim3A_154 = vector.broadcast %jit3A_152 : f32 to vector<2048x896xf32>
    %select_n3A_155 = arith.select %eq3A_150, %broadcast_in_dim3A_153, %broadcast_in_dim3A_154 : vector<2048x896xi1>, vector<2048x896xf32>
    %add3A_156 = arith.addf %add3A_144, %select_n3A_155 : vector<2048x896xf32>
    %iota3A_157 = tpu.iota {dimensions = array<i32: 1>} : vector<2048x896xi32>
    %add3A_158 = arith.constant 32 : i32
    %add3A_159 = vector.broadcast %add3A_158 : i32 to vector<2048x1xi32>
    %add3A_160 = arith.addi %slice3A_4, %add3A_159 : vector<2048x1xi32>
    %eq3A_161 = vector.broadcast %add3A_160 : vector<2048x1xi32> to vector<2048x896xi32>
    %eq3A_162 = arith.cmpi eq, %iota3A_157, %eq3A_161 : vector<2048x896xi32>
    %jit3A_163 = arith.constant 1.000000e+00 : f32
    %jit3A_164 = arith.constant 0.000000e+00 : f32
    %broadcast_in_dim3A_165 = vector.broadcast %jit3A_163 : f32 to vector<2048x896xf32>
    %broadcast_in_dim3A_166 = vector.broadcast %jit3A_164 : f32 to vector<2048x896xf32>
    %select_n3A_167 = arith.select %eq3A_162, %broadcast_in_dim3A_165, %broadcast_in_dim3A_166 : vector<2048x896xi1>, vector<2048x896xf32>
    %add3A_168 = arith.addf %add3A_156, %select_n3A_167 : vector<2048x896xf32>
    %iota3A_169 = tpu.iota {dimensions = array<i32: 1>} : vector<2048x896xi32>
    %add3A_170 = arith.constant 115 : i32
    %add3A_171 = vector.broadcast %add3A_170 : i32 to vector<2048x1xi32>
    %add3A_172 = arith.addi %slice3A_5, %add3A_171 : vector<2048x1xi32>
    %eq3A_173 = vector.broadcast %add3A_172 : vector<2048x1xi32> to vector<2048x896xi32>
    %eq3A_174 = arith.cmpi eq, %iota3A_169, %eq3A_173 : vector<2048x896xi32>
    %jit3A_175 = arith.constant 1.000000e+00 : f32
    %jit3A_176 = arith.constant 0.000000e+00 : f32
    %broadcast_in_dim3A_177 = vector.broadcast %jit3A_175 : f32 to vector<2048x896xf32>
    %broadcast_in_dim3A_178 = vector.broadcast %jit3A_176 : f32 to vector<2048x896xf32>
    %select_n3A_179 = arith.select %eq3A_174, %broadcast_in_dim3A_177, %broadcast_in_dim3A_178 : vector<2048x896xi1>, vector<2048x896xf32>
    %add3A_180 = arith.addf %add3A_168, %select_n3A_179 : vector<2048x896xf32>
    %mul3A_181 = arith.constant 83 : i32
    %mul3A_182 = vector.broadcast %mul3A_181 : i32 to vector<2048x1xi32>
    %mul3A_183 = arith.muli %slice3A_2, %mul3A_182 : vector<2048x1xi32>
    %add3A_184 = arith.addi %mul3A_183, %slice3A_4 : vector<2048x1xi32>
    %iota3A_185 = tpu.iota {dimensions = array<i32: 1>} : vector<2048x896xi32>
    %add3A_186 = arith.constant 126 : i32
    %add3A_187 = vector.broadcast %add3A_186 : i32 to vector<2048x1xi32>
    %add3A_188 = arith.addi %add3A_184, %add3A_187 : vector<2048x1xi32>
    %eq3A_189 = vector.broadcast %add3A_188 : vector<2048x1xi32> to vector<2048x896xi32>
    %eq3A_190 = arith.cmpi eq, %iota3A_185, %eq3A_189 : vector<2048x896xi32>
    %jit3A_191 = arith.constant 1.000000e+00 : f32
    %jit3A_192 = arith.constant 0.000000e+00 : f32
    %broadcast_in_dim3A_193 = vector.broadcast %jit3A_191 : f32 to vector<2048x896xf32>
    %broadcast_in_dim3A_194 = vector.broadcast %jit3A_192 : f32 to vector<2048x896xf32>
    %select_n3A_195 = arith.select %eq3A_190, %broadcast_in_dim3A_193, %broadcast_in_dim3A_194 : vector<2048x896xi1>, vector<2048x896xf32>
    %add3A_196 = arith.addf %add3A_180, %select_n3A_195 : vector<2048x896xf32>
    %get3A_197 = arith.constant 0 : index
    %get3A_198 = arith.constant 0 : index
    %get3A_199 = vector.load %arg4[%get3A_197, %get3A_198] : memref<2048x1xf32, #tpu.memory_space<vmem>>, vector<2048x1xf32>
    %get3A_200 = arith.constant 0 : index
    %get3A_201 = arith.constant 0 : index
    %get3A_202 = vector.load %arg5[%get3A_200, %get3A_201] : memref<2048x1xf32, #tpu.memory_space<vmem>>, vector<2048x1xf32>
    %add3A_203 = arith.addf %get3A_199, %get3A_202 : vector<2048x1xf32>
    %get3A_204 = arith.constant 0 : index
    %get3A_205 = arith.constant 0 : index
    %get3A_206 = vector.load %arg14[%get3A_204, %get3A_205] : memref<896x1xf32, #tpu.memory_space<vmem>>, vector<896x1xf32>
    %dot_general3A_207 = arith.constant dense<0.000000e+00> : vector<2048x1xf32>
    %dot_general3A_208 = tpu.matmul %add3A_196, %get3A_206, %dot_general3A_207 {dimension_numbers = #tpu.dot_dimension_numbers<[1], [0], [0], [1], [0, 0, 1, 1], [], []>, transpose_lhs_hint = false} : vector<2048x896xf32>, vector<896x1xf32>, vector<2048x1xf32> -> vector<2048x1xf32>
    %add3A_209 = arith.addf %add3A_203, %dot_general3A_208 : vector<2048x1xf32>
    %get3A_210 = arith.constant 0 : index
    %get3A_211 = arith.constant 0 : index
    %get3A_212 = memref.load %arg15[%get3A_210, %get3A_211] : memref<1x4xf32, #tpu.memory_space<smem>>
    %mul3A_213 = vector.broadcast %get3A_212 : f32 to vector<2048x1xf32>
    %mul3A_214 = arith.mulf %slice3A_7, %mul3A_213 : vector<2048x1xf32>
    %add3A_215 = arith.addf %add3A_209, %mul3A_214 : vector<2048x1xf32>
    %get3A_216 = arith.constant 0 : index
    %get3A_217 = arith.constant 1 : index
    %get3A_218 = memref.load %arg15[%get3A_216, %get3A_217] : memref<1x4xf32, #tpu.memory_space<smem>>
    %mul3A_219 = vector.broadcast %get3A_218 : f32 to vector<2048x1xf32>
    %mul3A_220 = arith.mulf %slice3A_8, %mul3A_219 : vector<2048x1xf32>
    %add3A_221 = arith.addf %add3A_215, %mul3A_220 : vector<2048x1xf32>
    %get3A_222 = arith.constant 0 : index
    %get3A_223 = arith.constant 2 : index
    %get3A_224 = memref.load %arg15[%get3A_222, %get3A_223] : memref<1x4xf32, #tpu.memory_space<smem>>
    %add3A_225 = vector.broadcast %get3A_224 : f32 to vector<2048x1xf32>
    %add3A_226 = arith.addf %add3A_221, %add3A_225 : vector<2048x1xf32>
    %mul3A_227 = arith.constant 5.000000e-01 : f32
    %mul3A_228 = vector.broadcast %mul3A_227 : f32 to vector<2048x1xf32>
    %mul3A_229 = arith.mulf %mul3A_228, %add3A_226 : vector<2048x1xf32>
    %mul3A_230 = arith.constant 5.000000e-01 : f32
    %mul3A_231 = vector.broadcast %mul3A_230 : f32 to vector<2048x1xf32>
    %mul3A_232 = arith.mulf %mul3A_231, %add3A_121 : vector<2048x1xf32>
    %add3A_233 = arith.addf %mul3A_229, %mul3A_232 : vector<2048x1xf32>
    %logistic3A = arith.negf %add3A_233 : vector<2048x1xf32>
    %logistic3A_234 = math.exp %logistic3A : vector<2048x1xf32>
    %logistic3A_235 = arith.constant 1.000000e+00 : f32
    %logistic3A_236 = vector.broadcast %logistic3A_235 : f32 to vector<2048x1xf32>
    %logistic3A_237 = arith.addf %logistic3A_236, %logistic3A_234 : vector<2048x1xf32>
    %logistic3A_238 = arith.divf %logistic3A_236, %logistic3A_237 : vector<2048x1xf32>
    %swap3A = arith.constant 0 : index
    %swap3A_239 = arith.constant 0 : index
    %swap3A_240 = vector.load %arg16[%swap3A, %swap3A_239] : memref<2048x1xf32, #tpu.memory_space<vmem>>, vector<2048x1xf32>
    tpu.vector_store %arg16[%swap3A, %swap3A_239], %logistic3A_238 {strides = array<i32>} : memref<2048x1xf32, #tpu.memory_space<vmem>>, vector<2048x1xf32>,
    return
  }
  func.func @transform_0(%arg0: i32) -> (i32, i32) {
    %c0_i32 = arith.constant 0 : i32
    %c0_i32_0 = arith.constant 0 : i32
    return %arg0, %c0_i32 : i32, i32
  }
  func.func @transform_1(%arg0: i32) -> (i32, i32) {
    %c0_i32 = arith.constant 0 : i32
    %c0_i32_0 = arith.constant 0 : i32
    return %arg0, %c0_i32 : i32, i32
  }
  func.func @transform_2(%arg0: i32) -> (i32, i32) {
    %c0_i32 = arith.constant 0 : i32
    %c0_i32_0 = arith.constant 0 : i32
    return %arg0, %c0_i32 : i32, i32
  }
  func.func @transform_3(%arg0: i32) -> (i32, i32) {
    %c0_i32 = arith.constant 0 : i32
    %c0_i32_0 = arith.constant 0 : i32
    return %arg0, %c0_i32 : i32, i32
  }
  func.func @transform_4(%arg0: i32) -> (i32, i32) {
    %c0_i32 = arith.constant 0 : i32
    %c0_i32_0 = arith.constant 0 : i32
    return %arg0, %c0_i32 : i32, i32
  }
  func.func @transform_5(%arg0: i32) -> (i32, i32) {
    %c0_i32 = arith.constant 0 : i32
    %c0_i32_0 = arith.constant 0 : i32
    %c0_i32_1 = arith.constant 0 : i32
    return %c0_i32, %c0_i32_0 : i32, i32
  }
  func.func @transform_6(%arg0: i32) -> (i32, i32) {
    %c0_i32 = arith.constant 0 : i32
    %c0_i32_0 = arith.constant 0 : i32
    %c0_i32_1 = arith.constant 0 : i32
    return %c0_i32, %c0_i32_0 : i32, i32
  }
  func.func @transform_7(%arg0: i32) -> (i32, i32) {
    %c0_i32 = arith.constant 0 : i32
    %c0_i32_0 = arith.constant 0 : i32
    %c0_i32_1 = arith.constant 0 : i32
    return %c0_i32, %c0_i32_0 : i32, i32
  }
  func.func @transform_8(%arg0: i32) -> (i32, i32) {
    %c0_i32 = arith.constant 0 : i32
    %c0_i32_0 = arith.constant 0 : i32
    %c0_i32_1 = arith.constant 0 : i32
    return %c0_i32, %c0_i32_0 : i32, i32
  }
  func.func @transform_9(%arg0: i32) -> (i32, i32) {
    %c0_i32 = arith.constant 0 : i32
    %c0_i32_0 = arith.constant 0 : i32
    %c0_i32_1 = arith.constant 0 : i32
    return %c0_i32, %c0_i32_0 : i32, i32
  }
  func.func @transform_10(%arg0: i32) -> (i32, i32) {
    %c0_i32 = arith.constant 0 : i32
    %c0_i32_0 = arith.constant 0 : i32
    %c0_i32_1 = arith.constant 0 : i32
    return %c0_i32, %c0_i32_0 : i32, i32
  }
  func.func @transform_11(%arg0: i32) -> (i32, i32) {
    %c0_i32 = arith.constant 0 : i32
    %c0_i32_0 = arith.constant 0 : i32
    %c0_i32_1 = arith.constant 0 : i32
    return %c0_i32, %c0_i32_0 : i32, i32
  }
  func.func @transform_12(%arg0: i32) -> (i32, i32) {
    %c0_i32 = arith.constant 0 : i32
    %c0_i32_0 = arith.constant 0 : i32
    %c0_i32_1 = arith.constant 0 : i32
    return %c0_i32, %c0_i32_0 : i32, i32
  }
  func.func @transform_13(%arg0: i32) -> (i32, i32) {
    %c0_i32 = arith.constant 0 : i32
    %c0_i32_0 = arith.constant 0 : i32
    %c0_i32_1 = arith.constant 0 : i32
    return %c0_i32, %c0_i32_0 : i32, i32
  }
  func.func @transform_14(%arg0: i32) -> (i32, i32) {
    %c0_i32 = arith.constant 0 : i32
    %c0_i32_0 = arith.constant 0 : i32
    %c0_i32_1 = arith.constant 0 : i32
    return %c0_i32, %c0_i32_0 : i32, i32
  }
  func.func @transform_15(%arg0: i32) -> (i32, i32) {
    %c0_i32 = arith.constant 0 : i32
    %c0_i32_0 = arith.constant 0 : i32
    return %arg0, %c0_i32 : i32, i32
  }
}

</mosaic_0001>

<sc_bundles>
// kernel: kernel.4.cloned.1.call-start
scs
__scs_entry_jumppad:
0x0: {  	(pc) =	sbr.rel $0x88, $3  }
0x1: {  	(tag) =	ssettag $0x0;
	lr =	simm.s32 $0x1  }
0x2: {  	[smem:$0x3F8A] =	sst lr;
	_ =	strace $0xD0000000  }
0x3: {  	_ = 	snop  }
0x4: {  	_ = 	snop  }
0x5: {  	_ = 	snop  }
0x6: {  	_ = 	snop  }
0x7: {  	_ = 	snop  }
__scs_overlays_trampoline_lowered:
0x8: {  	[smem:$0x3F99] =	sst s0  }
0x9: {  	[smem:$0x3F9A] =	sst s1  }
0xa: {  	[smem:$0x3F9B] =	sst s2  }
0xb: {  	[smem:$0x3F9C] =	sst s3  }
0xc: {  	[smem:$0x3F9D] =	sst s4  }
0xd: {  	[smem:$0x3F9E] =	sst s5  }
0xe: {  	[smem:$0x3F9F] =	sst s6  }
0xf: {  	[smem:$0x3FA0] =	sst s7  }
0x10: {  	[smem:$0x3FA1] =	sst s8  }
0x11: {  	[smem:$0x3FA2] =	sst s9;
	s0 =	simm.s32 @!p0 $0x0  }
0x12: {  	s1 =	sld [smem:$0x3F88];
	s0 =	simm.s32 @p0 $0x1  }
0x13: {  	[smem:$0x3FA3] =	sst s0;
	s0 =	simm.s32 @!p1 $0x0  }
0x14: {  	s2 =	sld [smem:$0x3F87];
	s0 =	simm.s32 @p1 $0x1  }
0x15: {  	[smem:$0x3FA4] =	sst s0;
	s0 =	simm.s32 @!p2 $0x0  }
0x16: {  	s3 =	sld [smem:$0x3FDB];
	s0 =	simm.s32 @p2 $0x1  }
0x17: {  	s4 =	simm.s32 $0x1BF5;
	[smem:$0x3FA6] =	sst s0  }
0x18: {  	s0 =	sld [smem:$0x3F89];
	_ =	swait.ge [sflag:s4], $0x0  }
0x19: {  	s7 =	sld [smem:$0x3F8A]  }
0x1a: {  	s8 =	sadd.s32 $0xFFFFE003, lr  }
0x1b: {  	s9 =	sadd.s32 $0xFFFFFEF7, lr;
	s5 =	simm.s32 $0xFFFFFFFF;
	p2 =	slt.u32 s8, $0xFFFFF086  }
0x1c: {  	p1 =	slt.u32 s9, $0xF7A;
	s5 =	simm.s32 @!p2 $0x0  }
0x1d: {  	s5 =	simm.s32 @p1 $0x1;
	p0 =	seq.s32 s7, s2  }
0x1e: {  	s7 =	smul.u32 @!p0 $0xF7A, s2;
	p2 =	seq.s32 @!p0 s5, $0x0  }
0x1f: {  	s9 =	smul.u32 $0xF7A, s1;
	s8 =	simm.s32 @!p0 $0x1BF5;
	p2 =	por !p2, p0  }
0x20: {  	[sflag:s8] =	ssyncset.s32 @!p0 $0xFFFFF086;
	s6 =	sadd.s32 @!p0 s3, s7;
	s7 =	simm.s32 @!p0 $0x108  }
0x21: {  	s3 =	sadd.s32 s3, s9;
	s6 =	sadd.s32 @!p0 $0x88, s6;
	s7 =	simm.s32 @p2 $0x1082  }
0x22: {  	[simem:s7], [sflag:s8] =	dma.local @!p0 [hbm:s6], $0xF7A  }
0x23: {  	s9 =	sor.u32 $0xD0000000, s2;
	s6 =	simm.s32 $0x108;
	_ =	swait.ge @!p0 [sflag:s8], $0x0  }
0x24: {  	s3 =	sadd.s32 $0x88, s3;
	s6 =	simm.s32 @!p1 $0x1082;
	[sflag:s4] =	ssyncset.s32 $0xFFFFF086  }
0x25: {  	[simem:s6], [sflag:s4] =	dma.local [hbm:s3], $0xF7A  }
0x26: {  	[smem:$0x3F8A] =	sst s1;
	(tag) =	ssettag s2;
	_ =	strace s9  }
0x27: {  	s1 =	sld [smem:$0x3F9A]  }
0x28: {  	s2 =	sld [smem:$0x3F9B]  }
0x29: {  	s4 =	sld [smem:$0x3F9D]  }
0x2a: {  	p0 =	seq.s32 s5, $0x0;
	s5 =	sld [smem:$0x3F9E]  }
0x2b: {  	s6 =	sld [smem:$0x3F9F]  }
0x2c: {  	s7 =	sld [smem:$0x3FA0]  }
0x2d: {  	s3 =	simm.s32 $0x108;
	s8 =	sld [smem:$0x3FA1]  }
0x2e: {  	s3 =	simm.s32 @!p0 $0x1082;
	s9 =	sld [smem:$0x3FA2]  }
0x2f: {  	lr =	sadd.s32 s0, s3;
	s0 =	sld [smem:$0x3F99]  }
0x30: {  	s3 =	sld [smem:$0x3F9C]  }
0x31: {  	[smem:$0x3FA5] =	sst s10  }
0x32: {  	s10 =	sld [smem:$0x3FA3];
	_ =	sdelay $0x3  }
0x33: {  	p0 =	seq.s32 s10, $0x1;
	s10 =	sld [smem:$0x3FA5];
	_ =	sdelay $0x3  }
0x34: {  	[smem:$0x3FA5] =	sst s10  }
0x35: {  	s10 =	sld [smem:$0x3FA4];
	_ =	sdelay $0x3  }
0x36: {  	p1 =	seq.s32 s10, $0x1;
	s10 =	sld [smem:$0x3FA5];
	_ =	sdelay $0x3  }
0x37: {  	[smem:$0x3FA5] =	sst s10  }
0x38: {  	s10 =	sld [smem:$0x3FA6]  }
0x39: {  	_ = 	snop;
	(pc) =	sbr.ind lr, $3  }
0x3a: {  	_ = 	snop  }
0x3b: {  	_ = 	snop  }
0x3c: {  	p2 =	seq.s32 s10, $0x1;
	s10 =	sld [smem:$0x3FA5]  }
0x3d: {  	_ =	shalt  }
0x3e: {  	_ =	shalt  }
0x3f: {  	_ =	shalt  }
0x40: {  	_ =	shalt  }
0x41: {  	_ =	shalt  }
0x42: {  	_ =	shalt  }
0x43: {  	_ =	shalt  }
0x44: {  	_ =	shalt  }
0x45: {  	_ =	shalt  }
0x46: {  	_ =	shalt  }
0x47: {  	_ =	shalt  }
0x48: {  	_ =	shalt  }
0x49: {  	_ =	shalt  }
0x4a: {  	_ =	shalt  }
0x4b: {  	_ =	shalt  }
0x4c: {  	_ =	shalt  }
0x4d: {  	_ =	shalt  }
0x4e: {  	_ =	shalt  }
0x4f: {  	_ =	shalt  }
0x50: {  	_ =	shalt  }
0x51: {  	_ =	shalt  }
0x52: {  	_ =	shalt  }
0x53: {  	_ =	shalt  }
0x54: {  	_ =	shalt  }
0x55: {  	_ =	shalt  }
0x56: {  	_ =	shalt  }
0x57: {  	_ =	shalt  }
0x58: {  	_ =	shalt  }
0x59: {  	_ =	shalt  }
0x5a: {  	_ =	shalt  }
0x5b: {  	_ =	shalt  }
0x5c: {  	_ =	shalt  }
0x5d: {  	_ =	shalt  }
0x5e: {  	_ =	shalt  }
0x5f: {  	_ =	shalt  }
0x60: {  	_ =	shalt  }
0x61: {  	_ =	shalt  }
0x62: {  	_ =	shalt  }
0x63: {  	_ =	shalt  }
0x64: {  	_ =	shalt  }
0x65: {  	_ =	shalt  }
0x66: {  	_ =	shalt  }
0x67: {  	_ =	shalt  }
0x68: {  	_ =	shalt  }
0x69: {  	_ =	shalt  }
0x6a: {  	_ =	shalt  }
0x6b: {  	_ =	shalt  }
0x6c: {  	_ =	shalt  }
0x6d: {  	_ =	shalt  }
0x6e: {  	_ =	shalt  }
0x6f: {  	_ =	shalt  }
0x70: {  	_ =	shalt  }
0x71: {  	_ =	shalt  }
0x72: {  	_ =	shalt  }
0x73: {  	_ =	shalt  }
0x74: {  	_ =	shalt  }
0x75: {  	_ =	shalt  }
0x76: {  	_ =	shalt  }
0x77: {  	_ =	shalt  }
0x78: {  	_ =	shalt  }
0x79: {  	_ =	shalt  }
0x7a: {  	_ =	shalt  }
0x7b: {  	_ =	shalt  }
0x7c: {  	_ =	shalt  }
0x7d: {  	_ =	shalt  }
0x7e: {  	_ =	shalt  }
0x7f: {  	_ =	shalt  }
0x80: {  	_ =	shalt  }
0x81: {  	_ =	shalt  }
0x82: {  	_ =	shalt  }
0x83: {  	_ =	shalt  }
0x84: {  	_ =	shalt  }
0x85: {  	_ =	shalt  }
0x86: {  	_ =	shalt  }
0x87: {  	_ =	shalt  }
.Lfunc_end0:
.L_simem_size_0:
called_computation_lowered:
.L_overlay_start_0:
0x88: {  	s2 =	sld [smem:$0x3FD9]  }
0x89: {  	s3 =	sld [smem:$0x3FFE];
	_ =	sdelay $0x1  }
0x8a: {  	s1 =	srdreg.scid  }
0x8b: {  	s0 =	sand.u32 $0x1, s1  }
0x8c: {  	s17 =	sshll.u32 s0, $0xA;
	s2 =	sadd.s32 s3, s2  }
0x8d: {  	s2 =	sadd.s32 s2, s17  }
0x8e: {  	[smem:$0x3FB1] =	sst s2  }
0x8f: {  	_ = 	snop  }
0x90: {  	s2 =	sld [smem:$0x3FD0];
	(tm) =	ssettm $0x1  }
0x91: {  	s18 =	sld [smem:$0x3FFB];
	_ =	sdelay $0x3  }
0x92: {  	_ =	strace s18  }
0x93: {  	s3 =	sld [smem:$0x3FFC];
	_ =	sdelay $0x3  }
0x94: {  	_ =	strace s3  }
0x95: {  	s3 =	sld [smem:$0x3FFD];
	_ =	sdelay $0x3  }
0x96: {  	_ =	strace s3  }
0x97: {  	_ =	strace $0x8FFFFFFF  }
0x98: {  	s19 =	sld [smem:$0x3FDB];
	_ =	sdelay $0x1  }
0x99: {  	s4 =	simm.s32 $_scs_section_size  }
0x9a: {  	s5 =	simm.s32 $_size__tile_overlayer_lowered;
	s6 =	simm.s32 $_tile_overlayer_lowered  }
0x9b: {  	s22 =	simm.s32 $0x1BFF;
	s21 =	sshll.u32 s6, $0x1;
	s3 =	sadd.s32 s4, s19  }
0x9c: {  	s7 =	simm.s32 $0x0;
	s20 =	sshll.u32 s5, $0x1;
	s5 =	sadd.s32 s21, s3  }
0x9d: {  	[timem:s7], [sflag:s22] =	dma.local [hbm:s5], s20  }
0x9e: {  	_ =	swait.ge [sflag:s22], s20  }
0x9f: {  	s4 =	ssub.s32 $0x0, s20;
	[sflag:s22] =	ssyncset.done $0x0  }
0xa0: {  	[sflag:s22] =	ssyncadd.s32 s4;
	_ =	sdelay $0x1  }
0xa1: {  	s23 =	simm.s32 $0x1B8B  }
0xa2: {  	_ =	swait.ge [sflag:s23], $0x1  }
0xa3: {  	[sflag:s23] =	ssyncset.done $0x0  }
0xa4: {  	s25 =	simm.s32 $0x1B8E;
	s24 =	sld [smem:$0x3FFE];
	[sflag:s23] =	ssyncadd.s32 $0xFFFFFFFF  }
0xa5: {  	s26 =	simm.s32 $execute0_lowered;
	[smem:$0x3FD2] =	sst s25  }
0xa6: {  	s5 =	sshll.u32 s26, $0x1;
	_ =	strace $0x80000046;
	[dreg:$0x1] =	wrdreg $0xFFFFFFFF  }
0xa7: {  	s28 =	simm.s32 $_size_execute0_lowered;
	s3 =	sadd.s32 s3, s5;
	[dreg:$0x0] =	wrdreg $0x0  }
0xa8: {  	s5 =	sshll.u32 s28, $0x1;
	[dreg:$0x2] =	wrdreg s3  }
0xa9: {  	[dreg:$0x3] =	wrdreg s5  }
0xaa: {  	[dreg:$0x4] =	wrdreg $0xC0  }
0xab: {  	_ =	task [dreg:s7], $0x5FFFF  }
0xac: {  	[dreg:$0x1] =	wrdreg $0xFFFFFFFF  }
0xad: {  	[dreg:$0x0] =	wrdreg $0x60  }
0xae: {  	[dreg:$0x2] =	wrdreg s24  }
0xaf: {  	[dreg:$0x3] =	wrdreg s2  }
0xb0: {  	[dreg:$0x4] =	wrdreg $0x9  }
0xb1: {  	_ =	task.clear_ibuf [dreg:s7], $0x5FFFF;
	_ =	strace $0x90000046  }
0xb2: {  	s29 =	simm.s32 $0x9;
	_ =	strace $0x80000048  }
0xb3: {  	_ =	swait.ge [sflag:s29], $0x1  }
0xb4: {  	[sflag:s29] =	ssyncadd.s32 $0xFFFFFFFF  }
0xb5: {  	_ =	strace $0x90000048  }
0xb6: {  	_ =	sfence  }
0xb7: {  	s30 =	sld [smem:$0x0];
	_ =	sdelay $0x2  }
0xb8: {  	s31 =	sshll.u32 s1, $0xD;
	s1 =	sshrl.u32 s1, $0x2  }
0xb9: {  	s3 =	sand.u32 $0x4000, s31;
	s1 =	sadd.s32 s1, s30  }
0xba: {  	s0 =	sor.u32 s3, s0;
	s1 =	sshll.u32 s1, $0x11  }
0xbb: {  	s0 =	sor.u32 s1, s0  }
0xbc: {  	s0 =	sadd.s32 $0x8F2B, s0  }
0xbd: {  	[sflag:s0] =	ssyncadd.remote.s32 $0x1  }
0xbe: {  	_ =	sfence.sel $0xFFFF  }
0xbf: {  	[dreg:$0x0] =	wrdreg $0xFFFFFFFF;
	(pc) =	sbr.abs _section_cstart, $3  }
0xc0: {  	[dreg:$0x1] =	wrdreg $0xFFFFFFFF  }
0xc1: {  	_ =	task.clear_ibuf [dreg:s7], $0x2FFFF;
	_ =	strace $0x9FFFFFFF  }
0xc2: {  	(tm) =	ssettm $0x7FFFFFFF  }
0xc3: {  	_ =	shalt  }
tec
execute0_lowered:
.L_overlay_start_1:
0x0: {  	(tag) =	ssettag $0x1  }
0x1: {  	s0 =	srdreg.scid;
	s1 =	rddreg [dreg:$0x0]  }
0x2: {  	s2 =	stileid.u32;
	s3 =	rddreg [dreg:$0x1];
	s15 =	simm.s32 $0x200  }
0x3: {  	s23 =	simm.s32 $0x2400;
	s14 =	simm.s32 $0x80;
	s24 =	simm.s32 $0x4400  }
0x4: {  	s25 =	simm.s32 $0x6400;
	s17 =	simm.s32 $0x100;
	s26 =	simm.s32 $0xA400  }
0x5: {  	s28 =	simm.s32 $0x10500;
	s29 =	simm.s32 $0x10580;
	s30 =	simm.s32 $0x10680  }
0x6: {  	p0 =	por $0x0, $0x0;
	s31 =	simm.s32 $0x10700;
	s16 =	simm.s32 $0x2  }
0x7: {  	s13 =	simm.s32 $0x3;
	s8 =	simm.s32 $0x4;
	s0 =	sand.u32 $0x1, s0  }
0x8: {  	s4 =	sshll.u32 s2, $0xA;
	s2 =	simm.s32 $0x0;
	s11 =	sadd.s32 $0xF45800, s1  }
0x9: {  	s9 =	sadd.s32 $0x189E00, s1;
	s10 =	sadd.s32 $0x3200, s1;
	[smem:$0x7FF] =	sst s2  }
0xa: {  	s12 =	sadd.s32 $0x21C00, s1;
	_ =	strace $0x80000047;
	[dreg:$0x9] =	wrdreg s23  }
0xb: {  	s5 =	sshll.u32 s0, $0x9;
	s0 =	ssub.s32 $0x2, s0;
	[dreg:$0xa] =	wrdreg s24  }
0xc: {  	s4 =	sor.u32 s5, s4;
	s20 =	sshrl.u32 s0, $0x1;
	[dreg:$0xb] =	wrdreg s25  }
0xd: {  	[dreg:$0xc] =	wrdreg s26;
	s25 =	simm.s32 $0xE400;
	s26 =	simm.s32 $0x10480  }
0xe: {  	s24 =	simm.s32 $0x10780;
	s5 =	sshrl.u32 s4, $0x3;
	s4 =	sshll.u32 s4, $0x3  }
0xf: {  	s0 =	ssub.s32 s0, s20;
	s20 =	simm.s32 $0x300;
	s6 =	sadd.s32 s5, s1  }
0x10: {  	s4 =	sadd.s32 s4, s1;
	s3 =	sadd.s32 s3, s5;
	s0 =	smax.u32 s0, $0x1  }
0x11: {  	s5 =	simm.s32 $0x8400;
	s7 =	sadd.s32 $0x2A00, s6;
	[dreg:$0x4] =	wrdreg s3  }
0x12: {  	s18 =	sadd.s32 $0x45E00, s4;
	s19 =	sadd.s32 $0x25E00, s4;
	[dreg:$0x3] =	wrdreg s7  }
0x13: {  	s21 =	sadd.s32 $0x24E00, s6;
	p1 =	sne.s32 s0, $0x1;
	[dreg:$0x5] =	wrdreg s18  }
.Ltmp0:
0x14: {  	s22 =	sadd.s32 $0x25600, s6;
	[dreg:$0x6] =	wrdreg s19;
	(pc) =	sbr.rel @!p1 .LBB2_1-.Ltmp0, $4  }
0x15: {  	s3 =	simm.s32 $0x5;
	s4 =	simm.s32 $0x400;
	[dreg:$0x7] =	wrdreg s21  }
0x16: {  	s6 =	simm.s32 $0x10600;
	s23 =	sadd.s32 $0xFFFFFFFF, s0;
	[dreg:$0x8] =	wrdreg s22  }
0x17: {  	s18 =	simm.s32 $0x180;
	s19 =	simm.s32 $0x280;
	s21 =	simm.s32 $0x380  }
0x18: {  	s7 =	simm.s32 $0x10400;
	s22 =	simm.s32 $0x1;
	s0 =	rddreg [dreg:$0x3]  }
0x19: {  	[tilespmem:s2], [sflag:$0x5] =	stream.linear.gather [hbm4b:s0+s2], $0x200, $0x38;
	[tilespmem:$0x10800] =	vst v63  }
0x1a: {  	_ =	swait.ge [sflag:s3], $0x200  }
0x1b: {  	[sflag:s3] =	ssyncset.done $0x0  }
0x1c: {  	s1 =	rddreg [dreg:$0x4];
	[sflag:s3] =	ssyncadd.s32 $0xFFFFFE00  }
0x1d: {  	[tilespmem:s15], [sflag:$0x5] =	stream.linear.gather [hbm4b:s1+s2], $0x200, $0x38;
	[tilespmem:$0x10800] =	vst v63  }
0x1e: {  	_ =	swait.ge [sflag:s3], $0x200  }
0x1f: {  	[sflag:s3] =	ssyncset.done $0x0  }
0x20: {  	[sflag:s3] =	ssyncadd.s32 $0xFFFFFE00  }
0x21: {  	[tilespmem:s4], [sflag:$0x1] =	stream.indirect.gather [hbm4b:s11+s14], $0x40, s2, s14, $0xb8;
	[tilespmem:$0x10800] =	vst v63  }
0x22: {  	s0 =	rddreg [dreg:$0x9]  }
0x23: {  	[tilespmem:s0], [sflag:$0x1] =	stream.indirect.gather [hbm4b:s11+s14], $0x40, s14, s14, $0xb8;
	[tilespmem:$0x10800] =	vst v63  }
0x24: {  	s1 =	rddreg [dreg:$0xa]  }
0x25: {  	[tilespmem:s1], [sflag:$0x1] =	stream.indirect.gather [hbm4b:s11+s14], $0x40, s17, s14, $0xb8;
	[tilespmem:$0x10800] =	vst v63  }
0x26: {  	s0 =	rddreg [dreg:$0xb]  }
0x27: {  	[tilespmem:s0], [sflag:$0x1] =	stream.indirect.gather [hbm4b:s11+s14], $0x40, s18, s14, $0xb8;
	[tilespmem:$0x10800] =	vst v63  }
0x28: {  	_ = 	snop  }
0x29: {  	[tilespmem:s5], [sflag:$0x2] =	stream.indirect.gather [hbm4b:s9+s14], $0x40, s15, s14, $0xb8;
	[tilespmem:$0x10800] =	vst v63  }
0x2a: {  	s1 =	rddreg [dreg:$0xc]  }
0x2b: {  	[tilespmem:s1], [sflag:$0x2] =	stream.indirect.gather [hbm4b:s9+s14], $0x40, s19, s14, $0xb8;
	[tilespmem:$0x10800] =	vst v63  }
0x2c: {  	s1 =	simm.s32 $0xC400  }
0x2d: {  	[tilespmem:s1], [sflag:$0x2] =	stream.indirect.gather [hbm4b:s9+s14], $0x40, s20, s14, $0xb8;
	[tilespmem:$0x10800] =	vst v63  }
0x2e: {  	_ = 	snop  }
0x2f: {  	[tilespmem:s25], [sflag:$0x2] =	stream.indirect.gather [hbm4b:s9+s14], $0x40, s21, s14, $0xb8;
	[tilespmem:$0x10800] =	vst v63  }
0x30: {  	_ = 	snop  }
0x31: {  	[tilespmem:s7], [sflag:$0x3] =	stream.indirect.gather [hbm4b:s10+s14], $0x1, s2, s14, $0xb8;
	[tilespmem:$0x10800] =	vst v63  }
0x32: {  	_ = 	snop  }
0x33: {  	[tilespmem:s26], [sflag:$0x3] =	stream.indirect.gather [hbm4b:s10+s14], $0x1, s14, s14, $0xb8;
	[tilespmem:$0x10800] =	vst v63  }
0x34: {  	_ = 	snop  }
0x35: {  	[tilespmem:s28], [sflag:$0x3] =	stream.indirect.gather [hbm4b:s10+s14], $0x1, s17, s14, $0xb8;
	[tilespmem:$0x10800] =	vst v63  }
0x36: {  	_ = 	snop  }
0x37: {  	[tilespmem:s29], [sflag:$0x3] =	stream.indirect.gather [hbm4b:s10+s14], $0x1, s18, s14, $0xb8;
	[tilespmem:$0x10800] =	vst v63  }
0x38: {  	_ = 	snop  }
0x39: {  	[tilespmem:s6], [sflag:$0x4] =	stream.indirect.gather [hbm4b:s12+s14], $0x1, s15, s14, $0xb8;
	[tilespmem:$0x10800] =	vst v63  }
0x3a: {  	_ = 	snop  }
0x3b: {  	[tilespmem:s30], [sflag:$0x4] =	stream.indirect.gather [hbm4b:s12+s14], $0x1, s19, s14, $0xb8;
	[tilespmem:$0x10800] =	vst v63  }
0x3c: {  	_ = 	snop  }
0x3d: {  	[tilespmem:s31], [sflag:$0x4] =	stream.indirect.gather [hbm4b:s12+s14], $0x1, s20, s14, $0xb8;
	[tilespmem:$0x10800] =	vst v63  }
0x3e: {  	_ = 	snop  }
0x3f: {  	[tilespmem:s24], [sflag:$0x4] =	stream.indirect.gather [hbm4b:s12+s14], $0x1, s21, s14, $0xb8;
	[tilespmem:$0x10800] =	vst v63  }
0x40: {  	_ =	swait.ge [sflag:s22], $0x2000  }
0x41: {  	[sflag:s22] =	ssyncset.done $0x0  }
0x42: {  	[sflag:s22] =	ssyncadd.s32 $0xFFFFE000  }
0x43: {  	_ =	swait.ge [sflag:s22], $0x2000  }
0x44: {  	[sflag:s22] =	ssyncset.done $0x0  }
0x45: {  	[sflag:s22] =	ssyncadd.s32 $0xFFFFE000  }
0x46: {  	_ =	swait.ge [sflag:s22], $0x2000  }
0x47: {  	[sflag:s22] =	ssyncset.done $0x0  }
0x48: {  	[sflag:s22] =	ssyncadd.s32 $0xFFFFE000  }
0x49: {  	_ =	swait.ge [sflag:s22], $0x2000  }
0x4a: {  	[sflag:s22] =	ssyncset.done $0x0  }
0x4b: {  	[sflag:s22] =	ssyncadd.s32 $0xFFFFE000  }
0x4c: {  	_ =	swait.ge [sflag:s16], $0x2000  }
0x4d: {  	[sflag:s16] =	ssyncset.done $0x0  }
0x4e: {  	[sflag:s16] =	ssyncadd.s32 $0xFFFFE000  }
0x4f: {  	_ =	swait.ge [sflag:s16], $0x2000  }
0x50: {  	[sflag:s16] =	ssyncset.done $0x0  }
0x51: {  	[sflag:s16] =	ssyncadd.s32 $0xFFFFE000  }
0x52: {  	_ =	swait.ge [sflag:s16], $0x2000  }
0x53: {  	[sflag:s16] =	ssyncset.done $0x0  }
0x54: {  	[sflag:s16] =	ssyncadd.s32 $0xFFFFE000  }
0x55: {  	_ =	swait.ge [sflag:s16], $0x2000  }
0x56: {  	[sflag:s16] =	ssyncset.done $0x0  }
0x57: {  	[sflag:s16] =	ssyncadd.s32 $0xFFFFE000  }
0x58: {  	_ =	swait.ge [sflag:s13], $0x80  }
0x59: {  	[sflag:s13] =	ssyncset.done $0x0  }
0x5a: {  	[sflag:s13] =	ssyncadd.s32 $0xFFFFFF80  }
0x5b: {  	_ =	swait.ge [sflag:s13], $0x80  }
0x5c: {  	[sflag:s13] =	ssyncset.done $0x0  }
0x5d: {  	[sflag:s13] =	ssyncadd.s32 $0xFFFFFF80  }
0x5e: {  	_ =	swait.ge [sflag:s13], $0x80  }
0x5f: {  	[sflag:s13] =	ssyncset.done $0x0  }
0x60: {  	[sflag:s13] =	ssyncadd.s32 $0xFFFFFF80  }
0x61: {  	_ =	swait.ge [sflag:s13], $0x80  }
0x62: {  	[sflag:s13] =	ssyncset.done $0x0  }
0x63: {  	[sflag:s13] =	ssyncadd.s32 $0xFFFFFF80  }
0x64: {  	_ =	swait.ge [sflag:s8], $0x80  }
0x65: {  	[sflag:s8] =	ssyncset.done $0x0  }
0x66: {  	[sflag:s8] =	ssyncadd.s32 $0xFFFFFF80  }
0x67: {  	_ =	swait.ge [sflag:s8], $0x80  }
0x68: {  	[sflag:s8] =	ssyncset.done $0x0  }
0x69: {  	[sflag:s8] =	ssyncadd.s32 $0xFFFFFF80  }
0x6a: {  	_ =	swait.ge [sflag:s8], $0x80  }
0x6b: {  	[sflag:s8] =	ssyncset.done $0x0  }
0x6c: {  	[sflag:s8] =	ssyncadd.s32 $0xFFFFFF80  }
0x6d: {  	_ =	swait.ge [sflag:s8], $0x80  }
0x6e: {  	[sflag:s8] =	ssyncset.done $0x0  }
0x6f: {  	s1 =	rddreg [dreg:$0x5];
	[sflag:s8] =	ssyncadd.s32 $0xFFFFFF80  }
0x70: {  	[hbm4b:s1+s2] =	stream.linear.scatter [tilespmem:s4], [sflag:$0x5], $0x8000, $0x38;
	[tilespmem:$0x10800] =	vst v63  }
0x71: {  	_ =	swait.ge [sflag:s3], $0x8000  }
0x72: {  	[sflag:s3] =	ssyncset.done $0x0  }
0x73: {  	s1 =	rddreg [dreg:$0x6];
	[sflag:s3] =	ssyncadd.s32 $0xFFFF8000  }
0x74: {  	[hbm4b:s1+s2] =	stream.linear.scatter [tilespmem:s5], [sflag:$0x5], $0x8000, $0x38;
	[tilespmem:$0x10800] =	vst v63  }
0x75: {  	_ =	swait.ge [sflag:s3], $0x8000  }
0x76: {  	[sflag:s3] =	ssyncset.done $0x0  }
0x77: {  	s1 =	rddreg [dreg:$0x7];
	[sflag:s3] =	ssyncadd.s32 $0xFFFF8000  }
0x78: {  	[hbm4b:s1+s2] =	stream.linear.scatter [tilespmem:s7], [sflag:$0x5], $0x200, $0x38;
	[tilespmem:$0x10800] =	vst v63  }
0x79: {  	p1 =	sne.s32 s23, $0x1;
	_ =	swait.ge [sflag:s3], $0x200  }
.Ltmp1:
0x7a: {  	[sflag:s3] =	ssyncset.done $0x0;
	(pc) =	sbr.rel @!p1 .LBB2_3-.Ltmp1, $4  }
0x7b: {  	s1 =	rddreg [dreg:$0x8];
	[sflag:s3] =	ssyncadd.s32 $0xFFFFFE00  }
0x7c: {  	[hbm4b:s1+s2] =	stream.linear.scatter [tilespmem:s6], [sflag:$0x5], $0x200, $0x38;
	[tilespmem:$0x10800] =	vst v63  }
0x7d: {  	p0 =	por $0x1, $0x1;
	_ =	swait.ge [sflag:s3], $0x200  }
0x7e: {  	s1 =	sadd.s32 $0xFFFFFFFF, s23;
	s0 =	rddreg [dreg:$0x3];
	[sflag:s3] =	ssyncset.done $0x0  }
.LBB2_4:
0x7f: {  	[sflag:s3] =	ssyncadd.s32 $0xFFFFFE00  }
0x80: {  	[tilespmem:s2], [sflag:$0x5] =	stream.linear.gather [hbm4b:s0+s2], $0x200, $0x38;
	[tilespmem:$0x10800] =	vst v63  }
0x81: {  	_ =	swait.ge [sflag:s3], $0x200  }
0x82: {  	[sflag:s3] =	ssyncset.done $0x0  }
0x83: {  	s23 =	rddreg [dreg:$0x4];
	[sflag:s3] =	ssyncadd.s32 $0xFFFFFE00  }
0x84: {  	[tilespmem:s15], [sflag:$0x5] =	stream.linear.gather [hbm4b:s23+s2], $0x200, $0x38;
	[tilespmem:$0x10800] =	vst v63  }
0x85: {  	_ =	swait.ge [sflag:s3], $0x200  }
0x86: {  	[sflag:s3] =	ssyncset.done $0x0  }
0x87: {  	[sflag:s3] =	ssyncadd.s32 $0xFFFFFE00  }
0x88: {  	[tilespmem:s4], [sflag:$0x1] =	stream.indirect.gather [hbm4b:s11+s14], $0x40, s2, s14, $0xb8;
	[tilespmem:$0x10800] =	vst v63  }
0x89: {  	s0 =	rddreg [dreg:$0x9]  }
0x8a: {  	[tilespmem:s0], [sflag:$0x1] =	stream.indirect.gather [hbm4b:s11+s14], $0x40, s14, s14, $0xb8;
	[tilespmem:$0x10800] =	vst v63  }
0x8b: {  	s23 =	rddreg [dreg:$0xa]  }
0x8c: {  	[tilespmem:s23], [sflag:$0x1] =	stream.indirect.gather [hbm4b:s11+s14], $0x40, s17, s14, $0xb8;
	[tilespmem:$0x10800] =	vst v63  }
0x8d: {  	s0 =	rddreg [dreg:$0xb]  }
0x8e: {  	[tilespmem:s0], [sflag:$0x1] =	stream.indirect.gather [hbm4b:s11+s14], $0x40, s18, s14, $0xb8;
	[tilespmem:$0x10800] =	vst v63  }
0x8f: {  	_ = 	snop  }
0x90: {  	[tilespmem:s5], [sflag:$0x2] =	stream.indirect.gather [hbm4b:s9+s14], $0x40, s15, s14, $0xb8;
	[tilespmem:$0x10800] =	vst v63  }
0x91: {  	s23 =	rddreg [dreg:$0xc]  }
0x92: {  	[tilespmem:s23], [sflag:$0x2] =	stream.indirect.gather [hbm4b:s9+s14], $0x40, s19, s14, $0xb8;
	[tilespmem:$0x10800] =	vst v63  }
0x93: {  	s23 =	simm.s32 $0xC400  }
0x94: {  	[tilespmem:s23], [sflag:$0x2] =	stream.indirect.gather [hbm4b:s9+s14], $0x40, s20, s14, $0xb8;
	[tilespmem:$0x10800] =	vst v63  }
0x95: {  	_ = 	snop  }
0x96: {  	[tilespmem:s25], [sflag:$0x2] =	stream.indirect.gather [hbm4b:s9+s14], $0x40, s21, s14, $0xb8;
	[tilespmem:$0x10800] =	vst v63  }
0x97: {  	_ = 	snop  }
0x98: {  	[tilespmem:s7], [sflag:$0x3] =	stream.indirect.gather [hbm4b:s10+s14], $0x1, s2, s14, $0xb8;
	[tilespmem:$0x10800] =	vst v63  }
0x99: {  	_ = 	snop  }
0x9a: {  	[tilespmem:s26], [sflag:$0x3] =	stream.indirect.gather [hbm4b:s10+s14], $0x1, s14, s14, $0xb8;
	[tilespmem:$0x10800] =	vst v63  }
0x9b: {  	_ = 	snop  }
0x9c: {  	[tilespmem:s28], [sflag:$0x3] =	stream.indirect.gather [hbm4b:s10+s14], $0x1, s17, s14, $0xb8;
	[tilespmem:$0x10800] =	vst v63  }
0x9d: {  	_ = 	snop  }
0x9e: {  	[tilespmem:s29], [sflag:$0x3] =	stream.indirect.gather [hbm4b:s10+s14], $0x1, s18, s14, $0xb8;
	[tilespmem:$0x10800] =	vst v63  }
0x9f: {  	_ = 	snop  }
0xa0: {  	[tilespmem:s6], [sflag:$0x4] =	stream.indirect.gather [hbm4b:s12+s14], $0x1, s15, s14, $0xb8;
	[tilespmem:$0x10800] =	vst v63  }
0xa1: {  	_ = 	snop  }
0xa2: {  	[tilespmem:s30], [sflag:$0x4] =	stream.indirect.gather [hbm4b:s12+s14], $0x1, s19, s14, $0xb8;
	[tilespmem:$0x10800] =	vst v63  }
0xa3: {  	_ = 	snop  }
0xa4: {  	[tilespmem:s31], [sflag:$0x4] =	stream.indirect.gather [hbm4b:s12+s14], $0x1, s20, s14, $0xb8;
	[tilespmem:$0x10800] =	vst v63  }
0xa5: {  	_ = 	snop  }
0xa6: {  	[tilespmem:s24], [sflag:$0x4] =	stream.indirect.gather [hbm4b:s12+s14], $0x1, s21, s14, $0xb8;
	[tilespmem:$0x10800] =	vst v63  }
0xa7: {  	_ =	swait.ge [sflag:s22], $0x2000  }
0xa8: {  	[sflag:s22] =	ssyncset.done $0x0  }
0xa9: {  	[sflag:s22] =	ssyncadd.s32 $0xFFFFE000  }
0xaa: {  	_ =	swait.ge [sflag:s22], $0x2000  }
0xab: {  	[sflag:s22] =	ssyncset.done $0x0  }
0xac: {  	[sflag:s22] =	ssyncadd.s32 $0xFFFFE000  }
0xad: {  	_ =	swait.ge [sflag:s22], $0x2000  }
0xae: {  	[sflag:s22] =	ssyncset.done $0x0  }
0xaf: {  	[sflag:s22] =	ssyncadd.s32 $0xFFFFE000  }
0xb0: {  	_ =	swait.ge [sflag:s22], $0x2000  }
0xb1: {  	[sflag:s22] =	ssyncset.done $0x0  }
0xb2: {  	[sflag:s22] =	ssyncadd.s32 $0xFFFFE000  }
0xb3: {  	_ =	swait.ge [sflag:s16], $0x2000  }
0xb4: {  	[sflag:s16] =	ssyncset.done $0x0  }
0xb5: {  	[sflag:s16] =	ssyncadd.s32 $0xFFFFE000  }
0xb6: {  	_ =	swait.ge [sflag:s16], $0x2000  }
0xb7: {  	[sflag:s16] =	ssyncset.done $0x0  }
0xb8: {  	[sflag:s16] =	ssyncadd.s32 $0xFFFFE000  }
0xb9: {  	_ =	swait.ge [sflag:s16], $0x2000  }
0xba: {  	[sflag:s16] =	ssyncset.done $0x0  }
0xbb: {  	[sflag:s16] =	ssyncadd.s32 $0xFFFFE000  }
0xbc: {  	_ =	swait.ge [sflag:s16], $0x2000  }
0xbd: {  	[sflag:s16] =	ssyncset.done $0x0  }
0xbe: {  	[sflag:s16] =	ssyncadd.s32 $0xFFFFE000  }
0xbf: {  	_ =	swait.ge [sflag:s13], $0x80  }
0xc0: {  	[sflag:s13] =	ssyncset.done $0x0  }
0xc1: {  	[sflag:s13] =	ssyncadd.s32 $0xFFFFFF80  }
0xc2: {  	_ =	swait.ge [sflag:s13], $0x80  }
0xc3: {  	[sflag:s13] =	ssyncset.done $0x0  }
0xc4: {  	[sflag:s13] =	ssyncadd.s32 $0xFFFFFF80  }
0xc5: {  	_ =	swait.ge [sflag:s13], $0x80  }
0xc6: {  	[sflag:s13] =	ssyncset.done $0x0  }
0xc7: {  	[sflag:s13] =	ssyncadd.s32 $0xFFFFFF80  }
0xc8: {  	_ =	swait.ge [sflag:s13], $0x80  }
0xc9: {  	[sflag:s13] =	ssyncset.done $0x0  }
0xca: {  	[sflag:s13] =	ssyncadd.s32 $0xFFFFFF80  }
0xcb: {  	_ =	swait.ge [sflag:s8], $0x80  }
0xcc: {  	[sflag:s8] =	ssyncset.done $0x0  }
0xcd: {  	[sflag:s8] =	ssyncadd.s32 $0xFFFFFF80  }
0xce: {  	_ =	swait.ge [sflag:s8], $0x80  }
0xcf: {  	[sflag:s8] =	ssyncset.done $0x0  }
0xd0: {  	[sflag:s8] =	ssyncadd.s32 $0xFFFFFF80  }
0xd1: {  	_ =	swait.ge [sflag:s8], $0x80  }
0xd2: {  	[sflag:s8] =	ssyncset.done $0x0  }
0xd3: {  	[sflag:s8] =	ssyncadd.s32 $0xFFFFFF80  }
0xd4: {  	_ =	swait.ge [sflag:s8], $0x80  }
0xd5: {  	[sflag:s8] =	ssyncset.done $0x0  }
0xd6: {  	s23 =	rddreg [dreg:$0x5];
	[sflag:s8] =	ssyncadd.s32 $0xFFFFFF80  }
0xd7: {  	[hbm4b:s23+s2] =	stream.linear.scatter [tilespmem:s4], [sflag:$0x5], $0x8000, $0x38;
	[tilespmem:$0x10800] =	vst v63  }
0xd8: {  	_ =	swait.ge [sflag:s3], $0x8000  }
0xd9: {  	[sflag:s3] =	ssyncset.done $0x0  }
0xda: {  	s23 =	rddreg [dreg:$0x6];
	[sflag:s3] =	ssyncadd.s32 $0xFFFF8000  }
0xdb: {  	[hbm4b:s23+s2] =	stream.linear.scatter [tilespmem:s5], [sflag:$0x5], $0x8000, $0x38;
	[tilespmem:$0x10800] =	vst v63  }
0xdc: {  	_ =	swait.ge [sflag:s3], $0x8000  }
0xdd: {  	[sflag:s3] =	ssyncset.done $0x0  }
0xde: {  	s23 =	rddreg [dreg:$0x7];
	[sflag:s3] =	ssyncadd.s32 $0xFFFF8000  }
0xdf: {  	[hbm4b:s23+s2] =	stream.linear.scatter [tilespmem:s7], [sflag:$0x5], $0x200, $0x38;
	[tilespmem:$0x10800] =	vst v63  }
0xe0: {  	p1 =	sne.s32 s1, $0x1;
	_ =	swait.ge [sflag:s3], $0x200  }
.Ltmp2:
0xe1: {  	[sflag:s3] =	ssyncset.done $0x0;
	(pc) =	sbr.rel @p1 .LBB2_4-.Ltmp2, $4  }
0xe2: {  	s23 =	rddreg [dreg:$0x8];
	[sflag:s3] =	ssyncadd.s32 $0xFFFFFE00  }
0xe3: {  	[hbm4b:s23+s2] =	stream.linear.scatter [tilespmem:s6], [sflag:$0x5], $0x200, $0x38;
	[tilespmem:$0x10800] =	vst v63  }
0xe4: {  	_ =	swait.ge [sflag:s3], $0x200  }
0xe5: {  	s1 =	sadd.s32 $0xFFFFFFFF, s1;
	s0 =	rddreg [dreg:$0x3];
	[sflag:s3] =	ssyncset.done $0x0  }
0xe6: {  	s23 =	simm.s32 $0x10780;
	s31 =	simm.s32 $0x10700  }
0xe7: {  	s30 =	simm.s32 $0x10680;
	s29 =	simm.s32 $0x10580;
	s28 =	simm.s32 $0x10500  }
0xe8: {  	s26 =	simm.s32 $0x10480;
	s25 =	simm.s32 $0xE400;
	s24 =	simm.s32 $0xC400  }
.LBB2_6:
0xe9: {  	[sflag:s3] =	ssyncadd.s32 @p0 $0xFFFFFE00  }
0xea: {  	[tilespmem:s2], [sflag:$0x5] =	stream.linear.gather [hbm4b:s0+s2], $0x200, $0x38;
	[tilespmem:$0x10800] =	vst v63  }
0xeb: {  	_ =	swait.ge [sflag:s3], $0x200  }
0xec: {  	[sflag:s3] =	ssyncset.done $0x0  }
0xed: {  	s1 =	rddreg [dreg:$0x4];
	[sflag:s3] =	ssyncadd.s32 $0xFFFFFE00  }
0xee: {  	[tilespmem:s15], [sflag:$0x5] =	stream.linear.gather [hbm4b:s1+s2], $0x200, $0x38;
	[tilespmem:$0x10800] =	vst v63  }
0xef: {  	_ =	swait.ge [sflag:s3], $0x200  }
0xf0: {  	[sflag:s3] =	ssyncset.done $0x0  }
0xf1: {  	[sflag:s3] =	ssyncadd.s32 $0xFFFFFE00  }
0xf2: {  	[tilespmem:s4], [sflag:$0x1] =	stream.indirect.gather [hbm4b:s11+s14], $0x40, s2, s14, $0xb8;
	[tilespmem:$0x10800] =	vst v63  }
0xf3: {  	s0 =	rddreg [dreg:$0x9]  }
0xf4: {  	[tilespmem:s0], [sflag:$0x1] =	stream.indirect.gather [hbm4b:s11+s14], $0x40, s14, s14, $0xb8;
	[tilespmem:$0x10800] =	vst v63  }
0xf5: {  	s1 =	rddreg [dreg:$0xa]  }
0xf6: {  	[tilespmem:s1], [sflag:$0x1] =	stream.indirect.gather [hbm4b:s11+s14], $0x40, s17, s14, $0xb8;
	[tilespmem:$0x10800] =	vst v63  }
0xf7: {  	s0 =	rddreg [dreg:$0xb]  }
0xf8: {  	[tilespmem:s0], [sflag:$0x1] =	stream.indirect.gather [hbm4b:s11+s14], $0x40, s18, s14, $0xb8;
	[tilespmem:$0x10800] =	vst v63  }
0xf9: {  	_ = 	snop  }
0xfa: {  	[tilespmem:s5], [sflag:$0x2] =	stream.indirect.gather [hbm4b:s9+s14], $0x40, s15, s14, $0xb8;
	[tilespmem:$0x10800] =	vst v63  }
0xfb: {  	s11 =	rddreg [dreg:$0xc]  }
0xfc: {  	[tilespmem:s11], [sflag:$0x2] =	stream.indirect.gather [hbm4b:s9+s14], $0x40, s19, s14, $0xb8;
	[tilespmem:$0x10800] =	vst v63  }
0xfd: {  	_ = 	snop  }
0xfe: {  	[tilespmem:s24], [sflag:$0x2] =	stream.indirect.gather [hbm4b:s9+s14], $0x40, s20, s14, $0xb8;
	[tilespmem:$0x10800] =	vst v63  }
0xff: {  	_ = 	snop  }
0x100: {  	[tilespmem:s25], [sflag:$0x2] =	stream.indirect.gather [hbm4b:s9+s14], $0x40, s21, s14, $0xb8;
	[tilespmem:$0x10800] =	vst v63  }
0x101: {  	_ = 	snop  }
0x102: {  	[tilespmem:s7], [sflag:$0x3] =	stream.indirect.gather [hbm4b:s10+s14], $0x1, s2, s14, $0xb8;
	[tilespmem:$0x10800] =	vst v63  }
0x103: {  	_ = 	snop  }
0x104: {  	[tilespmem:s26], [sflag:$0x3] =	stream.indirect.gather [hbm4b:s10+s14], $0x1, s14, s14, $0xb8;
	[tilespmem:$0x10800] =	vst v63  }
0x105: {  	_ = 	snop  }
0x106: {  	[tilespmem:s28], [sflag:$0x3] =	stream.indirect.gather [hbm4b:s10+s14], $0x1, s17, s14, $0xb8;
	[tilespmem:$0x10800] =	vst v63  }
0x107: {  	_ = 	snop  }
0x108: {  	[tilespmem:s29], [sflag:$0x3] =	stream.indirect.gather [hbm4b:s10+s14], $0x1, s18, s14, $0xb8;
	[tilespmem:$0x10800] =	vst v63  }
0x109: {  	_ = 	snop  }
0x10a: {  	[tilespmem:s6], [sflag:$0x4] =	stream.indirect.gather [hbm4b:s12+s14], $0x1, s15, s14, $0xb8;
	[tilespmem:$0x10800] =	vst v63  }
0x10b: {  	_ = 	snop  }
0x10c: {  	[tilespmem:s30], [sflag:$0x4] =	stream.indirect.gather [hbm4b:s12+s14], $0x1, s19, s14, $0xb8;
	[tilespmem:$0x10800] =	vst v63  }
0x10d: {  	_ = 	snop  }
0x10e: {  	[tilespmem:s31], [sflag:$0x4] =	stream.indirect.gather [hbm4b:s12+s14], $0x1, s20, s14, $0xb8;
	[tilespmem:$0x10800] =	vst v63  }
0x10f: {  	_ = 	snop  }
0x110: {  	[tilespmem:s23], [sflag:$0x4] =	stream.indirect.gather [hbm4b:s12+s14], $0x1, s21, s14, $0xb8;
	[tilespmem:$0x10800] =	vst v63  }
0x111: {  	_ =	swait.ge [sflag:s22], $0x2000  }
0x112: {  	[sflag:s22] =	ssyncset.done $0x0  }
0x113: {  	[sflag:s22] =	ssyncadd.s32 $0xFFFFE000  }
0x114: {  	_ =	swait.ge [sflag:s22], $0x2000  }
0x115: {  	[sflag:s22] =	ssyncset.done $0x0  }
0x116: {  	[sflag:s22] =	ssyncadd.s32 $0xFFFFE000  }
0x117: {  	_ =	swait.ge [sflag:s22], $0x2000  }
0x118: {  	[sflag:s22] =	ssyncset.done $0x0  }
0x119: {  	[sflag:s22] =	ssyncadd.s32 $0xFFFFE000  }
0x11a: {  	_ =	swait.ge [sflag:s22], $0x2000  }
0x11b: {  	[sflag:s22] =	ssyncset.done $0x0  }
0x11c: {  	[sflag:s22] =	ssyncadd.s32 $0xFFFFE000  }
0x11d: {  	_ =	swait.ge [sflag:s16], $0x2000  }
0x11e: {  	[sflag:s16] =	ssyncset.done $0x0  }
0x11f: {  	[sflag:s16] =	ssyncadd.s32 $0xFFFFE000  }
0x120: {  	_ =	swait.ge [sflag:s16], $0x2000  }
0x121: {  	[sflag:s16] =	ssyncset.done $0x0  }
0x122: {  	[sflag:s16] =	ssyncadd.s32 $0xFFFFE000  }
0x123: {  	_ =	swait.ge [sflag:s16], $0x2000  }
0x124: {  	[sflag:s16] =	ssyncset.done $0x0  }
0x125: {  	[sflag:s16] =	ssyncadd.s32 $0xFFFFE000  }
0x126: {  	_ =	swait.ge [sflag:s16], $0x2000  }
0x127: {  	[sflag:s16] =	ssyncset.done $0x0  }
0x128: {  	[sflag:s16] =	ssyncadd.s32 $0xFFFFE000  }
0x129: {  	_ =	swait.ge [sflag:s13], $0x80  }
0x12a: {  	[sflag:s13] =	ssyncset.done $0x0  }
0x12b: {  	[sflag:s13] =	ssyncadd.s32 $0xFFFFFF80  }
0x12c: {  	_ =	swait.ge [sflag:s13], $0x80  }
0x12d: {  	[sflag:s13] =	ssyncset.done $0x0  }
0x12e: {  	[sflag:s13] =	ssyncadd.s32 $0xFFFFFF80  }
0x12f: {  	_ =	swait.ge [sflag:s13], $0x80  }
0x130: {  	[sflag:s13] =	ssyncset.done $0x0  }
0x131: {  	[sflag:s13] =	ssyncadd.s32 $0xFFFFFF80  }
0x132: {  	_ =	swait.ge [sflag:s13], $0x80  }
0x133: {  	[sflag:s13] =	ssyncset.done $0x0  }
0x134: {  	[sflag:s13] =	ssyncadd.s32 $0xFFFFFF80  }
0x135: {  	_ =	swait.ge [sflag:s8], $0x80  }
0x136: {  	[sflag:s8] =	ssyncset.done $0x0  }
0x137: {  	[sflag:s8] =	ssyncadd.s32 $0xFFFFFF80  }
0x138: {  	_ =	swait.ge [sflag:s8], $0x80  }
0x139: {  	[sflag:s8] =	ssyncset.done $0x0  }
0x13a: {  	[sflag:s8] =	ssyncadd.s32 $0xFFFFFF80  }
0x13b: {  	_ =	swait.ge [sflag:s8], $0x80  }
0x13c: {  	[sflag:s8] =	ssyncset.done $0x0  }
0x13d: {  	[sflag:s8] =	ssyncadd.s32 $0xFFFFFF80  }
0x13e: {  	_ =	swait.ge [sflag:s8], $0x80  }
0x13f: {  	[sflag:s8] =	ssyncset.done $0x0  }
0x140: {  	s26 =	rddreg [dreg:$0x5];
	[sflag:s8] =	ssyncadd.s32 $0xFFFFFF80  }
0x141: {  	[hbm4b:s26+s2] =	stream.linear.scatter [tilespmem:s4], [sflag:$0x5], $0x8000, $0x38;
	[tilespmem:$0x10800] =	vst v63  }
0x142: {  	_ =	swait.ge [sflag:s3], $0x8000  }
0x143: {  	[sflag:s3] =	ssyncset.done $0x0  }
0x144: {  	s28 =	rddreg [dreg:$0x6];
	[sflag:s3] =	ssyncadd.s32 $0xFFFF8000  }
0x145: {  	[hbm4b:s28+s2] =	stream.linear.scatter [tilespmem:s5], [sflag:$0x5], $0x8000, $0x38;
	[tilespmem:$0x10800] =	vst v63  }
0x146: {  	_ =	swait.ge [sflag:s3], $0x8000  }
0x147: {  	[sflag:s3] =	ssyncset.done $0x0  }
0x148: {  	s29 =	rddreg [dreg:$0x7];
	[sflag:s3] =	ssyncadd.s32 $0xFFFF8000  }
0x149: {  	[hbm4b:s29+s2] =	stream.linear.scatter [tilespmem:s7], [sflag:$0x5], $0x200, $0x38;
	[tilespmem:$0x10800] =	vst v63  }
0x14a: {  	_ =	swait.ge [sflag:s3], $0x200  }
0x14b: {  	[sflag:s3] =	ssyncset.done $0x0  }
0x14c: {  	s30 =	rddreg [dreg:$0x8];
	[sflag:s3] =	ssyncadd.s32 $0xFFFFFE00  }
0x14d: {  	[hbm4b:s30+s2] =	stream.linear.scatter [tilespmem:s6], [sflag:$0x5], $0x200, $0x38;
	[tilespmem:$0x10800] =	vst v63  }
0x14e: {  	_ =	swait.ge [sflag:s3], $0x200  }
0x14f: {  	[sflag:s3] =	ssyncset.done $0x0  }
0x150: {  	[sflag:s3] =	ssyncadd.s32 $0xFFFFFE00  }
0x151: {  	_ =	sfence.sel $0x180000  }
0x152: {  	[bflag:$0x0] =	sbarrier.arrive $0xFFFF  }
0x153: {  	_ =	strace $0x90000047  }
0x154: {  	s31 =	stileid.u32;
	[bflag:$0x2] =	sbarrier.arrive $0xFFFF  }
0x155: {  	p0 =	sne.s32 s31, $0x0;
	s0 =	rddreg [dreg:$0x2]  }
0x156: {  	s0 =	sadd.s32 @!p0 $0x100000, s0  }
0x157: {  	[sflag:s0] =	ssyncadd.tile.s32 @!p0 $0x1;
	_ =	shalt  }
.LBB2_1:
.Ltmp3:
0x158: {  	(pc) =	sbr.rel .LBB2_6-.Ltmp3, $4  }
0x159: {  	_ = 	snop  }
0x15a: {  	s23 =	simm.s32 $0x10780;
	s31 =	simm.s32 $0x10700  }
0x15b: {  	s30 =	simm.s32 $0x10680;
	s29 =	simm.s32 $0x10580;
	s28 =	simm.s32 $0x10500  }
0x15c: {  	s26 =	simm.s32 $0x10480;
	s25 =	simm.s32 $0xE400;
	s24 =	simm.s32 $0xC400  }
.LBB2_3:
.Ltmp4:
0x15d: {  	(pc) =	sbr.rel .LBB2_6-.Ltmp4, $4  }
0x15e: {  	_ = 	snop  }
0x15f: {  	s23 =	simm.s32 $0x10780;
	s31 =	simm.s32 $0x10700  }
0x160: {  	s30 =	simm.s32 $0x10680;
	s29 =	simm.s32 $0x10580;
	s28 =	simm.s32 $0x10500  }
0x161: {  	s26 =	simm.s32 $0x10480;
	s25 =	simm.s32 $0xE400;
	s24 =	simm.s32 $0xC400  }
.Lfunc_end2:
_tile_overlayer_lowered:
.L_overlay_start_2:
0x162: {  	(tag) =	ssettag $0x2  }
0x163: {  	s0 =	rddreg [dreg:$0x0];
	s2 =	stileid.u32  }
0x164: {  	s1 =	rddreg [dreg:$0x1];
	p0 =	sne.s32 s2, $0x0  }
0x165: {  	s3 =	rddreg [dreg:$0x2];
	[bflag:$0x3] =	sbarrier.arrive $0xFFFF;
	s2 =	simm.s32 @!p0 $0x1C05  }
0x166: {  	[timem:s3], [sflag:s2] =	dma.local @!p0 [hbm:s0], s1  }
0x167: {  	s0 =	simm.s32 @!p0 $0x5  }
0x168: {  	_ =	swait.ge @!p0 [sflag:s0], s1  }
0x169: {  	s1 =	ssub.s32 @!p0 $0x0, s1;
	[sflag:s0] =	ssyncset.done @!p0 $0x0  }
0x16a: {  	[sflag:s0] =	ssyncadd.s32 @!p0 s1  }
0x16b: {  	[bflag:$0x3] =	sbarrier.arrive $0xFFFF  }
0x16c: {  	_ =	shalt  }

</sc_bundles>
